<compile_context>
chip_gen: v7x
topology: tpu7x:2x2x1
jax: 0.10.2.dev20260603
libtpu: 0.0.44.dev20260713+nightly
codegen_flags: <defaults>
</compile_context>

<pallas_src>
import math

import jax
import jax.numpy as jnp
from jax import lax
from jax.experimental import pallas as pl
from jax.experimental.pallas import tpu as pltpu

_CLAMP = math.log(1000.0 / 16.0)
_PRE = 2000
_N = 2048
_T = 0.7


def _make_anchor_grid(fh, fw, ih, iw):
    scales = jnp.array([32.0, 64.0, 128.0, 256.0, 512.0], dtype=jnp.float32)
    ratios = jnp.array([0.5, 1.0, 2.0], dtype=jnp.float32)
    h_r = jnp.sqrt(ratios)
    w_r = 1.0 / h_r
    ws = (w_r[:, None] * scales[None, :]).reshape(-1)
    hs = (h_r[:, None] * scales[None, :]).reshape(-1)
    base = jnp.round(jnp.stack([-ws, -hs, ws, hs], axis=1) / 2.0)
    sx = (jnp.arange(fw) * (iw // fw)).astype(jnp.float32)
    sy = (jnp.arange(fh) * (ih // fh)).astype(jnp.float32)
    yy, xx = jnp.meshgrid(sy, sx, indexing='ij')
    shifts = jnp.stack([xx, yy, xx, yy], axis=-1).reshape(-1, 4)
    return (shifts[:, None, :] + base[None, :, :]).reshape(-1, 4)


def _convx(x, w, b):
    y = lax.conv_general_dilated(x, w, window_strides=(1, 1), padding='SAME',
                                 dimension_numbers=('NCHW', 'OIHW', 'NCHW'))
    return y + b[None, :, None, None]


def _nms_body(iw, ih, td_ref, ta_ref, tdc_ref, tac_ref, props_ref, keep_ref,
              iou_ref, supp_ref):
    f32 = jnp.float32

    def decode(dref, aref, row):
        if row:
            ax0 = aref[0, 0:1, :]; ay0 = aref[0, 1:2, :]
            ax1 = aref[0, 2:3, :]; ay1 = aref[0, 3:4, :]
            dx = dref[0, 0:1, :]; dy = dref[0, 1:2, :]
            dw = dref[0, 2:3, :]; dh = dref[0, 3:4, :]
        else:
            ax0 = aref[0, :, 0:1]; ay0 = aref[0, :, 1:2]
            ax1 = aref[0, :, 2:3]; ay1 = aref[0, :, 3:4]
            dx = dref[0, :, 0:1]; dy = dref[0, :, 1:2]
            dw = dref[0, :, 2:3]; dh = dref[0, :, 3:4]
        aw = ax1 - ax0
        ah = ay1 - ay0
        acx = ax0 + 0.5 * aw
        acy = ay0 + 0.5 * ah
        dx = dx / 10.0
        dy = dy / 10.0
        dw = jnp.minimum(dw / 5.0, _CLAMP)
        dh = jnp.minimum(dh / 5.0, _CLAMP)
        pcx = dx * aw + acx
        pcy = dy * ah + acy
        pw = jnp.exp(dw) * aw
        ph = jnp.exp(dh) * ah
        x0 = jnp.clip(pcx - 0.5 * pw, 0.0, iw)
        y0 = jnp.clip(pcy - 0.5 * ph, 0.0, ih)
        x1 = jnp.clip(pcx + 0.5 * pw, 0.0, iw)
        y1 = jnp.clip(pcy + 0.5 * ph, 0.0, ih)
        return x0, y0, x1, y1

    x0, y0, x1, y1 = decode(td_ref, ta_ref, row=True)
    props_ref[0] = jnp.concatenate([x0, y0, x1, y1], axis=0)
    area = (x1 - x0) * (y1 - y0)
    iota = lax.broadcasted_iota(jnp.int32, (1, _N), 1)
    valid = (x1 - x0 >= 0.001) & (y1 - y0 >= 0.001) & (iota < _PRE)

    cx0, cy0, cx1, cy1 = decode(tdc_ref, tac_ref, row=False)
    carea = (cx1 - cx0) * (cy1 - cy0)

    for b in range(_N // 256):
        sl = slice(b * 256, (b + 1) * 256)
        ltx = jnp.maximum(cx0[sl], x0)
        lty = jnp.maximum(cy0[sl], y0)
        rbx = jnp.minimum(cx1[sl], x1)
        rby = jnp.minimum(cy1[sl], y1)
        w = jnp.maximum(rbx - ltx, 0.0)
        h = jnp.maximum(rby - lty, 0.0)
        inter = w * h
        iou_ref[sl, :] = inter / (carea[sl] + area - inter + 1e-9)

    supp_ref[...] = 1.0 - valid.astype(f32)
    L = 256
    iota_l = lax.broadcasted_iota(jnp.int32, (1, L), 1)

    for b in range(_N // L):
        base = b * L

        def body(k, carry):
            sb = supp_ref[:, base:base + L]
            act = 1.0 - jnp.max(jnp.where(iota_l == k, sb, 0.0))
            row = iou_ref[pl.ds(base + k, 1), base:base + L]
            cond = ((row > _T) & (iota_l > k)).astype(f32) * act
            supp_ref[:, base:base + L] = jnp.maximum(sb, cond)
            return carry

        lax.fori_loop(0, L, body, 0)
        if base + L < _N:
            kv = (supp_ref[:, base:base + L] == 0.0).astype(f32)
            mask = (iou_ref[base:base + L, :] > _T).astype(f32)
            hits = jnp.dot(kv, mask, preferred_element_type=f32)
            cross = ((hits > 0.0) & (iota >= base + L)).astype(f32)
            supp_ref[...] = jnp.maximum(supp_ref[...], cross)

    keep_ref[0] = (supp_ref[...] == 0.0).astype(f32)


def kernel(images, features, W_conv, b_conv, W_cls, b_cls, W_bbox, b_bbox):
    B = features.shape[0]
    ih, iw = images.shape[-2], images.shape[-1]
    fh, fw = features.shape[-2], features.shape[-1]
    hw = fh * fw
    A = W_cls.shape[0]
    n_anchor = hw * A

    t = jax.nn.relu(_convx(features, W_conv, b_conv))
    logits = _convx(t, W_cls, b_cls)
    bbox = _convx(t, W_bbox, b_bbox)
    obj = jnp.transpose(logits, (0, 2, 3, 1)).reshape(B, n_anchor)
    deltas = jnp.transpose(bbox.reshape(B, A, 4, fh, fw),
                           (0, 3, 4, 1, 2)).reshape(B, n_anchor, 4)
    anchors = _make_anchor_grid(fh, fw, ih, iw)

    _, top_idx = lax.top_k(obj, _PRE)
    sel_d = jnp.take_along_axis(deltas, top_idx[..., None], axis=1)
    sel_a = anchors[top_idx]
    sel_d = jnp.pad(sel_d, ((0, 0), (0, _N - _PRE), (0, 0)))
    sel_a = jnp.pad(sel_a, ((0, 0), (0, _N - _PRE), (0, 0)))
    td = jnp.transpose(sel_d, (0, 2, 1))
    ta = jnp.transpose(sel_a, (0, 2, 1))

    props, keep = pl.pallas_call(
        lambda *refs: _nms_body(float(iw), float(ih), *refs),
        grid=(B,),
        in_specs=[
            pl.BlockSpec((1, 4, _N), lambda b: (b, 0, 0)),
            pl.BlockSpec((1, 4, _N), lambda b: (b, 0, 0)),
            pl.BlockSpec((1, _N, 4), lambda b: (b, 0, 0)),
            pl.BlockSpec((1, _N, 4), lambda b: (b, 0, 0)),
        ],
        out_specs=[
            pl.BlockSpec((1, 4, _N), lambda b: (b, 0, 0)),
            pl.BlockSpec((1, 1, _N), lambda b: (b, 0, 0)),
        ],
        out_shape=[
            jax.ShapeDtypeStruct((B, 4, _N), jnp.float32),
            jax.ShapeDtypeStruct((B, 1, _N), jnp.float32),
        ],
        scratch_shapes=[
            pltpu.VMEM((_N, _N), jnp.float32),
            pltpu.VMEM((1, _N), jnp.float32),
        ],
        compiler_params=pltpu.CompilerParams(
            dimension_semantics=("parallel",)),
    )(td, ta, sel_d, sel_a)

    props_t = jnp.transpose(props, (0, 2, 1))[:, :_PRE]
    keep_b = keep[:, 0, :_PRE] > 0.5
    order = jnp.argsort(jnp.logical_not(keep_b).astype(jnp.int32),
                        axis=1, stable=True)
    kept = jnp.take_along_axis(props_t, order[..., None], axis=1)
    keep_o = jnp.take_along_axis(keep_b, order, axis=1)
    return jnp.where(keep_o[..., None], kept, 0.0)

# --- scband reference (transcript-rebuilt; emitter-appended) ---
"""Pipeline reference for scband-region-proposal-network-12893491823400 (READ-ONLY COPY).

The authoritative reference and input builder live on the scoring server;
editing this copy changes nothing except your own understanding.
"""

import math
import jax
import jax.numpy as jnp
import numpy as np
from jax import lax

_CLAMP = math.log(1000.0 / 16.0)
_PRE_NMS = 2000
_POST_NMS = 2000
_NMS_THRESH = 0.7


def _conv(x, w, b):
    y = lax.conv_general_dilated(x, w, window_strides=(1, 1), padding='SAME',
                                 dimension_numbers=('NCHW', 'OIHW', 'NCHW'))
    return y + b[None, :, None, None]


def _make_anchors(fh, fw, ih, iw):
    scales = jnp.array([32.0, 64.0, 128.0, 256.0, 512.0], dtype=jnp.float32)
    ratios = jnp.array([0.5, 1.0, 2.0], dtype=jnp.float32)
    h_r = jnp.sqrt(ratios)
    w_r = 1.0 / h_r
    ws = (w_r[:, None] * scales[None, :]).reshape(-1)
    hs = (h_r[:, None] * scales[None, :]).reshape(-1)
    base = jnp.round(jnp.stack([-ws, -hs, ws, hs], axis=1) / 2.0)
    sx = (jnp.arange(fw) * (iw // fw)).astype(jnp.float32)
    sy = (jnp.arange(fh) * (ih // fh)).astype(jnp.float32)
    yy, xx = jnp.meshgrid(sy, sx, indexing='ij')
    shifts = jnp.stack([xx, yy, xx, yy], axis=-1).reshape(-1, 4)
    return (shifts[:, None, :] + base[None, :, :]).reshape(-1, 4)


def _decode(rel, anchors):
    wx, wy, ww, wh = 10.0, 10.0, 5.0, 5.0
    widths = anchors[:, 2] - anchors[:, 0]
    heights = anchors[:, 3] - anchors[:, 1]
    ctr_x = anchors[:, 0] + 0.5 * widths
    ctr_y = anchors[:, 1] + 0.5 * heights
    dx = rel[:, 0] / wx
    dy = rel[:, 1] / wy
    dw = jnp.minimum(rel[:, 2] / ww, _CLAMP)
    dh = jnp.minimum(rel[:, 3] / wh, _CLAMP)
    pcx = dx * widths + ctr_x
    pcy = dy * heights + ctr_y
    pw = jnp.exp(dw) * widths
    ph = jnp.exp(dh) * heights
    return jnp.stack([pcx - 0.5 * pw, pcy - 0.5 * ph, pcx + 0.5 * pw, pcy + 0.5 * ph], axis=1)


def _box_iou(a, b):
    area_a = (a[:, 2] - a[:, 0]) * (a[:, 3] - a[:, 1])
    area_b = (b[:, 2] - b[:, 0]) * (b[:, 3] - b[:, 1])
    lt = jnp.maximum(a[:, None, :2], b[None, :, :2])
    rb = jnp.minimum(a[:, None, 2:], b[None, :, 2:])
    wh = jnp.clip(rb - lt, 0.0, None)
    inter = wh[..., 0] * wh[..., 1]
    return inter / (area_a[:, None] + area_b[None, :] - inter + 1e-9)


def _nms_keep(boxes, valid, thresh):
    n = boxes.shape[0]
    iou = _box_iou(boxes, boxes)
    idx = jnp.arange(n)

    def body(i, supp):
        active = jnp.logical_not(supp[i])
        row = active & (iou[i] > thresh) & (idx > i)
        return supp | row

    supp = lax.fori_loop(0, n, body, jnp.logical_not(valid))
    return jnp.logical_not(supp) & valid


def rpn_forward(images, features, W_conv, b_conv, W_cls, b_cls, W_bbox, b_bbox):
    B = images.shape[0]
    ih, iw = images.shape[-2], images.shape[-1]
    fh, fw = features.shape[-2], features.shape[-1]
    t = jax.nn.relu(_conv(features, W_conv, b_conv))
    logits = _conv(t, W_cls, b_cls)
    bbox = _conv(t, W_bbox, b_bbox)
    A = logits.shape[1]
    objectness = jnp.transpose(logits, (0, 2, 3, 1)).reshape(B, -1)
    deltas = jnp.transpose(bbox.reshape(B, A, 4, fh, fw), (0, 3, 4, 1, 2)).reshape(B, -1, 4)
    anchors = _make_anchors(fh, fw, ih, iw)
    rel = lax.stop_gradient(deltas).reshape(-1, 4)
    proposals = _decode(rel, jnp.tile(anchors, (B, 1))).reshape(B, -1, 4)
    pre_n = min(_PRE_NMS, anchors.shape[0])
    outs = []
    for i in range(B):
        top_scores, top_idx = lax.top_k(objectness[i], pre_n)
        props = proposals[i][top_idx]
        bx = jnp.clip(props[:, 0::2], 0.0, float(iw))
        by = jnp.clip(props[:, 1::2], 0.0, float(ih))
        props = jnp.stack([bx, by], axis=2).reshape(-1, 4)
        ws_ = props[:, 2] - props[:, 0]
        hs_ = props[:, 3] - props[:, 1]
        valid = (ws_ >= 0.001) & (hs_ >= 0.001)
        keep = _nms_keep(props, valid, _NMS_THRESH)
        order = jnp.argsort(jnp.logical_not(keep).astype(jnp.int32))
        kept = jnp.where(keep[order][:, None], props[order], 0.0)
        outs.append(kept[:_POST_NMS])
    return jnp.stack(outs, axis=0)


def setup_inputs(seed: int = 0):
    key = jax.random.key(seed)
    ks = jax.random.split(key, 8)
    return {
        'images': jax.random.uniform(ks[0], (2, 3, 2048, 2048), dtype=jnp.float32),
        'features': jax.random.normal(ks[1], (2, 64, 128, 128), dtype=jnp.float32),
        'W_conv': 0.01 * jax.random.normal(ks[2], (64, 64, 3, 3), dtype=jnp.float32),
        'b_conv': jnp.zeros((64,), dtype=jnp.float32),
        'W_cls': 0.01 * jax.random.normal(ks[3], (15, 64, 1, 1), dtype=jnp.float32),
        'b_cls': jnp.zeros((15,), dtype=jnp.float32),
        'W_bbox': 0.01 * jax.random.normal(ks[4], (60, 64, 1, 1), dtype=jnp.float32),
        'b_bbox': jnp.zeros((60,), dtype=jnp.float32),
    }


def reference(images, features, W_conv, b_conv, W_cls, b_cls, W_bbox, b_bbox):
    return rpn_forward(images, features, W_conv, b_conv, W_cls, b_cls, W_bbox, b_bbox)

if __name__ == "__main__":
    import jax
    _d = setup_inputs()
    print(jax.jit(kernel)(*tuple(_d.values())))

</pallas_src>

<mosaic_0001>
module attributes {stable_mosaic.version = 14 : i64} {
  func.func @_lambda_(%arg0: i32, %arg1: memref<1x4x2048xf32, #tpu.memory_space<vmem>>, %arg2: memref<1x4x2048xf32, #tpu.memory_space<vmem>>, %arg3: memref<1x2048x4xf32, #tpu.memory_space<vmem>>, %arg4: memref<1x2048x4xf32, #tpu.memory_space<vmem>>, %arg5: memref<1x4x2048xf32, #tpu.memory_space<vmem>>, %arg6: memref<1x1x2048xf32, #tpu.memory_space<vmem>>, %arg7: memref<2048x2048xf32, #tpu.memory_space<vmem>>, %arg8: memref<1x2048xf32, #tpu.memory_space<vmem>>) attributes {dimension_semantics = [#tpu.dimension_semantics<parallel>], iteration_bounds = array<i64: 2>, scalar_prefetch = 0 : i64, scratch_operands = 2 : i64, tpu.core_type = #tpu.core_type<tc>, window_params = [{transform_indices = @transform_0, window_bounds = array<i64: 1, 4, 2048>}, {transform_indices = @transform_1, window_bounds = array<i64: 1, 4, 2048>}, {transform_indices = @transform_2, window_bounds = array<i64: 1, 2048, 4>}, {transform_indices = @transform_3, window_bounds = array<i64: 1, 2048, 4>}, {transform_indices = @transform_4, window_bounds = array<i64: 1, 4, 2048>}, {transform_indices = @transform_5, window_bounds = array<i64: 1, 1, 2048>}]} {
    %get3A = arith.constant 0 : index
    %get3A_0 = arith.constant 0 : index
    %get3A_1 = arith.constant 0 : index
    %get3A_2 = vector.load %arg2[%get3A, %get3A_0, %get3A_1] : memref<1x4x2048xf32, #tpu.memory_space<vmem>>, vector<1x1x2048xf32>
    %get3A_3 = vector.shape_cast %get3A_2 : vector<1x1x2048xf32> to vector<1x2048xf32>
    %get3A_4 = arith.constant 0 : index
    %get3A_5 = arith.constant 1 : index
    %get3A_6 = arith.constant 0 : index
    %get3A_7 = vector.load %arg2[%get3A_4, %get3A_5, %get3A_6] : memref<1x4x2048xf32, #tpu.memory_space<vmem>>, vector<1x1x2048xf32>
    %get3A_8 = vector.shape_cast %get3A_7 : vector<1x1x2048xf32> to vector<1x2048xf32>
    %get3A_9 = arith.constant 0 : index
    %get3A_10 = arith.constant 2 : index
    %get3A_11 = arith.constant 0 : index
    %get3A_12 = vector.load %arg2[%get3A_9, %get3A_10, %get3A_11] : memref<1x4x2048xf32, #tpu.memory_space<vmem>>, vector<1x1x2048xf32>
    %get3A_13 = vector.shape_cast %get3A_12 : vector<1x1x2048xf32> to vector<1x2048xf32>
    %get3A_14 = arith.constant 0 : index
    %get3A_15 = arith.constant 3 : index
    %get3A_16 = arith.constant 0 : index
    %get3A_17 = vector.load %arg2[%get3A_14, %get3A_15, %get3A_16] : memref<1x4x2048xf32, #tpu.memory_space<vmem>>, vector<1x1x2048xf32>
    %get3A_18 = vector.shape_cast %get3A_17 : vector<1x1x2048xf32> to vector<1x2048xf32>
    %get3A_19 = arith.constant 0 : index
    %get3A_20 = arith.constant 0 : index
    %get3A_21 = arith.constant 0 : index
    %get3A_22 = vector.load %arg1[%get3A_19, %get3A_20, %get3A_21] : memref<1x4x2048xf32, #tpu.memory_space<vmem>>, vector<1x1x2048xf32>
    %get3A_23 = vector.shape_cast %get3A_22 : vector<1x1x2048xf32> to vector<1x2048xf32>
    %get3A_24 = arith.constant 0 : index
    %get3A_25 = arith.constant 1 : index
    %get3A_26 = arith.constant 0 : index
    %get3A_27 = vector.load %arg1[%get3A_24, %get3A_25, %get3A_26] : memref<1x4x2048xf32, #tpu.memory_space<vmem>>, vector<1x1x2048xf32>
    %get3A_28 = vector.shape_cast %get3A_27 : vector<1x1x2048xf32> to vector<1x2048xf32>
    %get3A_29 = arith.constant 0 : index
    %get3A_30 = arith.constant 2 : index
    %get3A_31 = arith.constant 0 : index
    %get3A_32 = vector.load %arg1[%get3A_29, %get3A_30, %get3A_31] : memref<1x4x2048xf32, #tpu.memory_space<vmem>>, vector<1x1x2048xf32>
    %get3A_33 = vector.shape_cast %get3A_32 : vector<1x1x2048xf32> to vector<1x2048xf32>
    %get3A_34 = arith.constant 0 : index
    %get3A_35 = arith.constant 3 : index
    %get3A_36 = arith.constant 0 : index
    %get3A_37 = vector.load %arg1[%get3A_34, %get3A_35, %get3A_36] : memref<1x4x2048xf32, #tpu.memory_space<vmem>>, vector<1x1x2048xf32>
    %get3A_38 = vector.shape_cast %get3A_37 : vector<1x1x2048xf32> to vector<1x2048xf32>
    %sub3A = arith.subf %get3A_13, %get3A_3 : vector<1x2048xf32>
    %sub3A_39 = arith.subf %get3A_18, %get3A_8 : vector<1x2048xf32>
    %mul3A = arith.constant 5.000000e-01 : f32
    %mul3A_40 = vector.broadcast %mul3A : f32 to vector<1x2048xf32>
    %mul3A_41 = arith.mulf %mul3A_40, %sub3A : vector<1x2048xf32>
    %add3A = arith.addf %get3A_3, %mul3A_41 : vector<1x2048xf32>
    %mul3A_42 = arith.constant 5.000000e-01 : f32
    %mul3A_43 = vector.broadcast %mul3A_42 : f32 to vector<1x2048xf32>
    %mul3A_44 = arith.mulf %mul3A_43, %sub3A_39 : vector<1x2048xf32>
    %add3A_45 = arith.addf %get3A_8, %mul3A_44 : vector<1x2048xf32>
    %div3A = arith.constant 1.000000e+01 : f32
    %div3A_46 = vector.broadcast %div3A : f32 to vector<1x2048xf32>
    %div3A_47 = arith.divf %get3A_23, %div3A_46 : vector<1x2048xf32>
    %div3A_48 = arith.constant 1.000000e+01 : f32
    %div3A_49 = vector.broadcast %div3A_48 : f32 to vector<1x2048xf32>
    %div3A_50 = arith.divf %get3A_28, %div3A_49 : vector<1x2048xf32>
    %div3A_51 = arith.constant 5.000000e+00 : f32
    %div3A_52 = vector.broadcast %div3A_51 : f32 to vector<1x2048xf32>
    %div3A_53 = arith.divf %get3A_33, %div3A_52 : vector<1x2048xf32>
    %min3A = arith.constant 4.13516665 : f32
    %min3A_54 = vector.broadcast %min3A : f32 to vector<1x2048xf32>
    %min3A_55 = arith.minimumf %div3A_53, %min3A_54 : vector<1x2048xf32>
    %div3A_56 = arith.constant 5.000000e+00 : f32
    %div3A_57 = vector.broadcast %div3A_56 : f32 to vector<1x2048xf32>
    %div3A_58 = arith.divf %get3A_38, %div3A_57 : vector<1x2048xf32>
    %min3A_59 = arith.constant 4.13516665 : f32
    %min3A_60 = vector.broadcast %min3A_59 : f32 to vector<1x2048xf32>
    %min3A_61 = arith.minimumf %div3A_58, %min3A_60 : vector<1x2048xf32>
    %mul3A_62 = arith.mulf %div3A_47, %sub3A : vector<1x2048xf32>
    %add3A_63 = arith.addf %mul3A_62, %add3A : vector<1x2048xf32>
    %mul3A_64 = arith.mulf %div3A_50, %sub3A_39 : vector<1x2048xf32>
    %add3A_65 = arith.addf %mul3A_64, %add3A_45 : vector<1x2048xf32>
    %exp3A = math.exp %min3A_55 : vector<1x2048xf32>
    %mul3A_66 = arith.mulf %exp3A, %sub3A : vector<1x2048xf32>
    %exp3A_67 = math.exp %min3A_61 : vector<1x2048xf32>
    %mul3A_68 = arith.mulf %exp3A_67, %sub3A_39 : vector<1x2048xf32>
    %mul3A_69 = arith.constant 5.000000e-01 : f32
    %mul3A_70 = vector.broadcast %mul3A_69 : f32 to vector<1x2048xf32>
    %mul3A_71 = arith.mulf %mul3A_70, %mul3A_66 : vector<1x2048xf32>
    %sub3A_72 = arith.subf %add3A_63, %mul3A_71 : vector<1x2048xf32>
    %jit3A = arith.constant 0.000000e+00 : f32
    %jit3A_73 = arith.constant 2.048000e+03 : f32
    %max3A = vector.broadcast %jit3A : f32 to vector<1x2048xf32>
    %max3A_74 = arith.maximumf %max3A, %sub3A_72 : vector<1x2048xf32>
    %min3A_75 = vector.broadcast %jit3A_73 : f32 to vector<1x2048xf32>
    %min3A_76 = arith.minimumf %min3A_75, %max3A_74 : vector<1x2048xf32>
    %mul3A_77 = arith.constant 5.000000e-01 : f32
    %mul3A_78 = vector.broadcast %mul3A_77 : f32 to vector<1x2048xf32>
    %mul3A_79 = arith.mulf %mul3A_78, %mul3A_68 : vector<1x2048xf32>
    %sub3A_80 = arith.subf %add3A_65, %mul3A_79 : vector<1x2048xf32>
    %jit3A_81 = arith.constant 0.000000e+00 : f32
    %jit3A_82 = arith.constant 2.048000e+03 : f32
    %max3A_83 = vector.broadcast %jit3A_81 : f32 to vector<1x2048xf32>
    %max3A_84 = arith.maximumf %max3A_83, %sub3A_80 : vector<1x2048xf32>
    %min3A_85 = vector.broadcast %jit3A_82 : f32 to vector<1x2048xf32>
    %min3A_86 = arith.minimumf %min3A_85, %max3A_84 : vector<1x2048xf32>
    %mul3A_87 = arith.constant 5.000000e-01 : f32
    %mul3A_88 = vector.broadcast %mul3A_87 : f32 to vector<1x2048xf32>
    %mul3A_89 = arith.mulf %mul3A_88, %mul3A_66 : vector<1x2048xf32>
    %add3A_90 = arith.addf %add3A_63, %mul3A_89 : vector<1x2048xf32>
    %jit3A_91 = arith.constant 0.000000e+00 : f32
    %jit3A_92 = arith.constant 2.048000e+03 : f32
    %max3A_93 = vector.broadcast %jit3A_91 : f32 to vector<1x2048xf32>
    %max3A_94 = arith.maximumf %max3A_93, %add3A_90 : vector<1x2048xf32>
    %min3A_95 = vector.broadcast %jit3A_92 : f32 to vector<1x2048xf32>
    %min3A_96 = arith.minimumf %min3A_95, %max3A_94 : vector<1x2048xf32>
    %mul3A_97 = arith.constant 5.000000e-01 : f32
    %mul3A_98 = vector.broadcast %mul3A_97 : f32 to vector<1x2048xf32>
    %mul3A_99 = arith.mulf %mul3A_98, %mul3A_68 : vector<1x2048xf32>
    %add3A_100 = arith.addf %add3A_65, %mul3A_99 : vector<1x2048xf32>
    %jit3A_101 = arith.constant 0.000000e+00 : f32
    %jit3A_102 = arith.constant 2.048000e+03 : f32
    %max3A_103 = vector.broadcast %jit3A_101 : f32 to vector<1x2048xf32>
    %max3A_104 = arith.maximumf %max3A_103, %add3A_100 : vector<1x2048xf32>
    %min3A_105 = vector.broadcast %jit3A_102 : f32 to vector<1x2048xf32>
    %min3A_106 = arith.minimumf %min3A_105, %max3A_104 : vector<1x2048xf32>
    %concatenate3A = tpu.concatenate %min3A_76, %min3A_86, %min3A_96, %min3A_106 in 0 : vector<1x2048xf32>, vector<1x2048xf32>, vector<1x2048xf32>, vector<1x2048xf32> -> vector<4x2048xf32>
    %swap3A = arith.constant 0 : index
    %swap3A_107 = arith.constant 0 : index
    %swap3A_108 = arith.constant 0 : index
    %swap3A_109 = vector.load %arg5[%swap3A, %swap3A_107, %swap3A_108] : memref<1x4x2048xf32, #tpu.memory_space<vmem>>, vector<1x4x2048xf32>
    %swap3A_110 = vector.shape_cast %swap3A_109 : vector<1x4x2048xf32> to vector<4x2048xf32>
    %swap3A_111 = vector.shape_cast %concatenate3A : vector<4x2048xf32> to vector<1x4x2048xf32>
    tpu.vector_store %arg5[%swap3A, %swap3A_107, %swap3A_108], %swap3A_111 {strides = array<i32>} : memref<1x4x2048xf32, #tpu.memory_space<vmem>>, vector<1x4x2048xf32>,
    %sub3A_112 = arith.subf %min3A_96, %min3A_76 : vector<1x2048xf32>
    %sub3A_113 = arith.subf %min3A_106, %min3A_86 : vector<1x2048xf32>
    %mul3A_114 = arith.mulf %sub3A_112, %sub3A_113 : vector<1x2048xf32>
    %iota3A = tpu.iota {dimensions = array<i32: 1>} : vector<1x2048xi32>
    %sub3A_115 = arith.subf %min3A_96, %min3A_76 : vector<1x2048xf32>
    %ge3A = arith.constant 1.000000e-03 : f32
    %ge3A_116 = vector.broadcast %ge3A : f32 to vector<1x2048xf32>
    %ge3A_117 = arith.cmpf oge, %sub3A_115, %ge3A_116 : vector<1x2048xf32>
    %sub3A_118 = arith.subf %min3A_106, %min3A_86 : vector<1x2048xf32>
    %ge3A_119 = arith.constant 1.000000e-03 : f32
    %ge3A_120 = vector.broadcast %ge3A_119 : f32 to vector<1x2048xf32>
    %ge3A_121 = arith.cmpf oge, %sub3A_118, %ge3A_120 : vector<1x2048xf32>
    %and3A = arith.andi %ge3A_117, %ge3A_121 : vector<1x2048xi1>
    %lt3A = arith.constant 2000 : i32
    %lt3A_122 = vector.broadcast %lt3A : i32 to vector<1x2048xi32>
    %lt3A_123 = arith.cmpi slt, %iota3A, %lt3A_122 : vector<1x2048xi32>
    %and3A_124 = arith.andi %and3A, %lt3A_123 : vector<1x2048xi1>
    %get3A_125 = arith.constant 0 : index
    %get3A_126 = arith.constant 0 : index
    %get3A_127 = arith.constant 0 : index
    %get3A_128 = vector.load %arg4[%get3A_125, %get3A_126, %get3A_127] : memref<1x2048x4xf32, #tpu.memory_space<vmem>>, vector<1x2048x1xf32>
    %get3A_129 = vector.shape_cast %get3A_128 : vector<1x2048x1xf32> to vector<2048x1xf32>
    %get3A_130 = arith.constant 0 : index
    %get3A_131 = arith.constant 0 : index
    %get3A_132 = arith.constant 1 : index
    %get3A_133 = vector.load %arg4[%get3A_130, %get3A_131, %get3A_132] : memref<1x2048x4xf32, #tpu.memory_space<vmem>>, vector<1x2048x1xf32>
    %get3A_134 = vector.shape_cast %get3A_133 : vector<1x2048x1xf32> to vector<2048x1xf32>
    %get3A_135 = arith.constant 0 : index
    %get3A_136 = arith.constant 0 : index
    %get3A_137 = arith.constant 2 : index
    %get3A_138 = vector.load %arg4[%get3A_135, %get3A_136, %get3A_137] : memref<1x2048x4xf32, #tpu.memory_space<vmem>>, vector<1x2048x1xf32>
    %get3A_139 = vector.shape_cast %get3A_138 : vector<1x2048x1xf32> to vector<2048x1xf32>
    %get3A_140 = arith.constant 0 : index
    %get3A_141 = arith.constant 0 : index
    %get3A_142 = arith.constant 3 : index
    %get3A_143 = vector.load %arg4[%get3A_140, %get3A_141, %get3A_142] : memref<1x2048x4xf32, #tpu.memory_space<vmem>>, vector<1x2048x1xf32>
    %get3A_144 = vector.shape_cast %get3A_143 : vector<1x2048x1xf32> to vector<2048x1xf32>
    %get3A_145 = arith.constant 0 : index
    %get3A_146 = arith.constant 0 : index
    %get3A_147 = arith.constant 0 : index
    %get3A_148 = vector.load %arg3[%get3A_145, %get3A_146, %get3A_147] : memref<1x2048x4xf32, #tpu.memory_space<vmem>>, vector<1x2048x1xf32>
    %get3A_149 = vector.shape_cast %get3A_148 : vector<1x2048x1xf32> to vector<2048x1xf32>
    %get3A_150 = arith.constant 0 : index
    %get3A_151 = arith.constant 0 : index
    %get3A_152 = arith.constant 1 : index
    %get3A_153 = vector.load %arg3[%get3A_150, %get3A_151, %get3A_152] : memref<1x2048x4xf32, #tpu.memory_space<vmem>>, vector<1x2048x1xf32>
    %get3A_154 = vector.shape_cast %get3A_153 : vector<1x2048x1xf32> to vector<2048x1xf32>
    %get3A_155 = arith.constant 0 : index
    %get3A_156 = arith.constant 0 : index
    %get3A_157 = arith.constant 2 : index
    %get3A_158 = vector.load %arg3[%get3A_155, %get3A_156, %get3A_157] : memref<1x2048x4xf32, #tpu.memory_space<vmem>>, vector<1x2048x1xf32>
    %get3A_159 = vector.shape_cast %get3A_158 : vector<1x2048x1xf32> to vector<2048x1xf32>
    %get3A_160 = arith.constant 0 : index
    %get3A_161 = arith.constant 0 : index
    %get3A_162 = arith.constant 3 : index
    %get3A_163 = vector.load %arg3[%get3A_160, %get3A_161, %get3A_162] : memref<1x2048x4xf32, #tpu.memory_space<vmem>>, vector<1x2048x1xf32>
    %get3A_164 = vector.shape_cast %get3A_163 : vector<1x2048x1xf32> to vector<2048x1xf32>
    %sub3A_165 = arith.subf %get3A_139, %get3A_129 : vector<2048x1xf32>
    %sub3A_166 = arith.subf %get3A_144, %get3A_134 : vector<2048x1xf32>
    %mul3A_167 = arith.constant 5.000000e-01 : f32
    %mul3A_168 = vector.broadcast %mul3A_167 : f32 to vector<2048x1xf32>
    %mul3A_169 = arith.mulf %mul3A_168, %sub3A_165 : vector<2048x1xf32>
    %add3A_170 = arith.addf %get3A_129, %mul3A_169 : vector<2048x1xf32>
    %mul3A_171 = arith.constant 5.000000e-01 : f32
    %mul3A_172 = vector.broadcast %mul3A_171 : f32 to vector<2048x1xf32>
    %mul3A_173 = arith.mulf %mul3A_172, %sub3A_166 : vector<2048x1xf32>
    %add3A_174 = arith.addf %get3A_134, %mul3A_173 : vector<2048x1xf32>
    %div3A_175 = arith.constant 1.000000e+01 : f32
    %div3A_176 = vector.broadcast %div3A_175 : f32 to vector<2048x1xf32>
    %div3A_177 = arith.divf %get3A_149, %div3A_176 : vector<2048x1xf32>
    %div3A_178 = arith.constant 1.000000e+01 : f32
    %div3A_179 = vector.broadcast %div3A_178 : f32 to vector<2048x1xf32>
    %div3A_180 = arith.divf %get3A_154, %div3A_179 : vector<2048x1xf32>
    %div3A_181 = arith.constant 5.000000e+00 : f32
    %div3A_182 = vector.broadcast %div3A_181 : f32 to vector<2048x1xf32>
    %div3A_183 = arith.divf %get3A_159, %div3A_182 : vector<2048x1xf32>
    %min3A_184 = arith.constant 4.13516665 : f32
    %min3A_185 = vector.broadcast %min3A_184 : f32 to vector<2048x1xf32>
    %min3A_186 = arith.minimumf %div3A_183, %min3A_185 : vector<2048x1xf32>
    %div3A_187 = arith.constant 5.000000e+00 : f32
    %div3A_188 = vector.broadcast %div3A_187 : f32 to vector<2048x1xf32>
    %div3A_189 = arith.divf %get3A_164, %div3A_188 : vector<2048x1xf32>
    %min3A_190 = arith.constant 4.13516665 : f32
    %min3A_191 = vector.broadcast %min3A_190 : f32 to vector<2048x1xf32>
    %min3A_192 = arith.minimumf %div3A_189, %min3A_191 : vector<2048x1xf32>
    %mul3A_193 = arith.mulf %div3A_177, %sub3A_165 : vector<2048x1xf32>
    %add3A_194 = arith.addf %mul3A_193, %add3A_170 : vector<2048x1xf32>
    %mul3A_195 = arith.mulf %div3A_180, %sub3A_166 : vector<2048x1xf32>
    %add3A_196 = arith.addf %mul3A_195, %add3A_174 : vector<2048x1xf32>
    %exp3A_197 = math.exp %min3A_186 : vector<2048x1xf32>
    %mul3A_198 = arith.mulf %exp3A_197, %sub3A_165 : vector<2048x1xf32>
    %exp3A_199 = math.exp %min3A_192 : vector<2048x1xf32>
    %mul3A_200 = arith.mulf %exp3A_199, %sub3A_166 : vector<2048x1xf32>
    %mul3A_201 = arith.constant 5.000000e-01 : f32
    %mul3A_202 = vector.broadcast %mul3A_201 : f32 to vector<2048x1xf32>
    %mul3A_203 = arith.mulf %mul3A_202, %mul3A_198 : vector<2048x1xf32>
    %sub3A_204 = arith.subf %add3A_194, %mul3A_203 : vector<2048x1xf32>
    %jit3A_205 = arith.constant 0.000000e+00 : f32
    %jit3A_206 = arith.constant 2.048000e+03 : f32
    %max3A_207 = vector.broadcast %jit3A_205 : f32 to vector<2048x1xf32>
    %max3A_208 = arith.maximumf %max3A_207, %sub3A_204 : vector<2048x1xf32>
    %min3A_209 = vector.broadcast %jit3A_206 : f32 to vector<2048x1xf32>
    %min3A_210 = arith.minimumf %min3A_209, %max3A_208 : vector<2048x1xf32>
    %mul3A_211 = arith.constant 5.000000e-01 : f32
    %mul3A_212 = vector.broadcast %mul3A_211 : f32 to vector<2048x1xf32>
    %mul3A_213 = arith.mulf %mul3A_212, %mul3A_200 : vector<2048x1xf32>
    %sub3A_214 = arith.subf %add3A_196, %mul3A_213 : vector<2048x1xf32>
    %jit3A_215 = arith.constant 0.000000e+00 : f32
    %jit3A_216 = arith.constant 2.048000e+03 : f32
    %max3A_217 = vector.broadcast %jit3A_215 : f32 to vector<2048x1xf32>
    %max3A_218 = arith.maximumf %max3A_217, %sub3A_214 : vector<2048x1xf32>
    %min3A_219 = vector.broadcast %jit3A_216 : f32 to vector<2048x1xf32>
    %min3A_220 = arith.minimumf %min3A_219, %max3A_218 : vector<2048x1xf32>
    %mul3A_221 = arith.constant 5.000000e-01 : f32
    %mul3A_222 = vector.broadcast %mul3A_221 : f32 to vector<2048x1xf32>
    %mul3A_223 = arith.mulf %mul3A_222, %mul3A_198 : vector<2048x1xf32>
    %add3A_224 = arith.addf %add3A_194, %mul3A_223 : vector<2048x1xf32>
    %jit3A_225 = arith.constant 0.000000e+00 : f32
    %jit3A_226 = arith.constant 2.048000e+03 : f32
    %max3A_227 = vector.broadcast %jit3A_225 : f32 to vector<2048x1xf32>
    %max3A_228 = arith.maximumf %max3A_227, %add3A_224 : vector<2048x1xf32>
    %min3A_229 = vector.broadcast %jit3A_226 : f32 to vector<2048x1xf32>
    %min3A_230 = arith.minimumf %min3A_229, %max3A_228 : vector<2048x1xf32>
    %mul3A_231 = arith.constant 5.000000e-01 : f32
    %mul3A_232 = vector.broadcast %mul3A_231 : f32 to vector<2048x1xf32>
    %mul3A_233 = arith.mulf %mul3A_232, %mul3A_200 : vector<2048x1xf32>
    %add3A_234 = arith.addf %add3A_196, %mul3A_233 : vector<2048x1xf32>
    %jit3A_235 = arith.constant 0.000000e+00 : f32
    %jit3A_236 = arith.constant 2.048000e+03 : f32
    %max3A_237 = vector.broadcast %jit3A_235 : f32 to vector<2048x1xf32>
    %max3A_238 = arith.maximumf %max3A_237, %add3A_234 : vector<2048x1xf32>
    %min3A_239 = vector.broadcast %jit3A_236 : f32 to vector<2048x1xf32>
    %min3A_240 = arith.minimumf %min3A_239, %max3A_238 : vector<2048x1xf32>
    %sub3A_241 = arith.subf %min3A_230, %min3A_210 : vector<2048x1xf32>
    %sub3A_242 = arith.subf %min3A_240, %min3A_220 : vector<2048x1xf32>
    %mul3A_243 = arith.mulf %sub3A_241, %sub3A_242 : vector<2048x1xf32>
    %slice3A = vector.extract_strided_slice %min3A_210 {offsets = [0, 0], sizes = [256, 1], strides = [1, 1]} : vector<2048x1xf32> to vector<256x1xf32>
    %max3A_244 = vector.broadcast %slice3A : vector<256x1xf32> to vector<256x2048xf32>
    %max3A_245 = vector.broadcast %min3A_76 : vector<1x2048xf32> to vector<256x2048xf32>
    %max3A_246 = arith.maximumf %max3A_244, %max3A_245 : vector<256x2048xf32>
    %slice3A_247 = vector.extract_strided_slice %min3A_220 {offsets = [0, 0], sizes = [256, 1], strides = [1, 1]} : vector<2048x1xf32> to vector<256x1xf32>
    %max3A_248 = vector.broadcast %slice3A_247 : vector<256x1xf32> to vector<256x2048xf32>
    %max3A_249 = vector.broadcast %min3A_86 : vector<1x2048xf32> to vector<256x2048xf32>
    %max3A_250 = arith.maximumf %max3A_248, %max3A_249 : vector<256x2048xf32>
    %slice3A_251 = vector.extract_strided_slice %min3A_230 {offsets = [0, 0], sizes = [256, 1], strides = [1, 1]} : vector<2048x1xf32> to vector<256x1xf32>
    %min3A_252 = vector.broadcast %slice3A_251 : vector<256x1xf32> to vector<256x2048xf32>
    %min3A_253 = vector.broadcast %min3A_96 : vector<1x2048xf32> to vector<256x2048xf32>
    %min3A_254 = arith.minimumf %min3A_252, %min3A_253 : vector<256x2048xf32>
    %slice3A_255 = vector.extract_strided_slice %min3A_240 {offsets = [0, 0], sizes = [256, 1], strides = [1, 1]} : vector<2048x1xf32> to vector<256x1xf32>
    %min3A_256 = vector.broadcast %slice3A_255 : vector<256x1xf32> to vector<256x2048xf32>
    %min3A_257 = vector.broadcast %min3A_106 : vector<1x2048xf32> to vector<256x2048xf32>
    %min3A_258 = arith.minimumf %min3A_256, %min3A_257 : vector<256x2048xf32>
    %sub3A_259 = arith.subf %min3A_254, %max3A_246 : vector<256x2048xf32>
    %max3A_260 = arith.constant 0.000000e+00 : f32
    %max3A_261 = vector.broadcast %max3A_260 : f32 to vector<256x2048xf32>
    %max3A_262 = arith.maximumf %sub3A_259, %max3A_261 : vector<256x2048xf32>
    %sub3A_263 = arith.subf %min3A_258, %max3A_250 : vector<256x2048xf32>
    %max3A_264 = arith.constant 0.000000e+00 : f32
    %max3A_265 = vector.broadcast %max3A_264 : f32 to vector<256x2048xf32>
    %max3A_266 = arith.maximumf %sub3A_263, %max3A_265 : vector<256x2048xf32>
    %mul3A_267 = arith.mulf %max3A_262, %max3A_266 : vector<256x2048xf32>
    %slice3A_268 = vector.extract_strided_slice %mul3A_243 {offsets = [0, 0], sizes = [256, 1], strides = [1, 1]} : vector<2048x1xf32> to vector<256x1xf32>
    %add3A_269 = vector.broadcast %slice3A_268 : vector<256x1xf32> to vector<256x2048xf32>
    %add3A_270 = vector.broadcast %mul3A_114 : vector<1x2048xf32> to vector<256x2048xf32>
    %add3A_271 = arith.addf %add3A_269, %add3A_270 : vector<256x2048xf32>
    %sub3A_272 = arith.subf %add3A_271, %mul3A_267 : vector<256x2048xf32>
    %add3A_273 = arith.constant 9.99999971E-10 : f32
    %add3A_274 = vector.broadcast %add3A_273 : f32 to vector<256x2048xf32>
    %add3A_275 = arith.addf %sub3A_272, %add3A_274 : vector<256x2048xf32>
    %div3A_276 = arith.divf %mul3A_267, %add3A_275 : vector<256x2048xf32>
    %swap3A_277 = arith.constant 0 : index
    %swap3A_278 = arith.constant 0 : index
    %swap3A_279 = vector.load %arg7[%swap3A_277, %swap3A_278] : memref<2048x2048xf32, #tpu.memory_space<vmem>>, vector<256x2048xf32>
    tpu.vector_store %arg7[%swap3A_277, %swap3A_278], %div3A_276 {strides = array<i32>} : memref<2048x2048xf32, #tpu.memory_space<vmem>>, vector<256x2048xf32>,
    %slice3A_280 = vector.extract_strided_slice %min3A_210 {offsets = [256, 0], sizes = [256, 1], strides = [1, 1]} : vector<2048x1xf32> to vector<256x1xf32>
    %max3A_281 = vector.broadcast %slice3A_280 : vector<256x1xf32> to vector<256x2048xf32>
    %max3A_282 = vector.broadcast %min3A_76 : vector<1x2048xf32> to vector<256x2048xf32>
    %max3A_283 = arith.maximumf %max3A_281, %max3A_282 : vector<256x2048xf32>
    %slice3A_284 = vector.extract_strided_slice %min3A_220 {offsets = [256, 0], sizes = [256, 1], strides = [1, 1]} : vector<2048x1xf32> to vector<256x1xf32>
    %max3A_285 = vector.broadcast %slice3A_284 : vector<256x1xf32> to vector<256x2048xf32>
    %max3A_286 = vector.broadcast %min3A_86 : vector<1x2048xf32> to vector<256x2048xf32>
    %max3A_287 = arith.maximumf %max3A_285, %max3A_286 : vector<256x2048xf32>
    %slice3A_288 = vector.extract_strided_slice %min3A_230 {offsets = [256, 0], sizes = [256, 1], strides = [1, 1]} : vector<2048x1xf32> to vector<256x1xf32>
    %min3A_289 = vector.broadcast %slice3A_288 : vector<256x1xf32> to vector<256x2048xf32>
    %min3A_290 = vector.broadcast %min3A_96 : vector<1x2048xf32> to vector<256x2048xf32>
    %min3A_291 = arith.minimumf %min3A_289, %min3A_290 : vector<256x2048xf32>
    %slice3A_292 = vector.extract_strided_slice %min3A_240 {offsets = [256, 0], sizes = [256, 1], strides = [1, 1]} : vector<2048x1xf32> to vector<256x1xf32>
    %min3A_293 = vector.broadcast %slice3A_292 : vector<256x1xf32> to vector<256x2048xf32>
    %min3A_294 = vector.broadcast %min3A_106 : vector<1x2048xf32> to vector<256x2048xf32>
    %min3A_295 = arith.minimumf %min3A_293, %min3A_294 : vector<256x2048xf32>
    %sub3A_296 = arith.subf %min3A_291, %max3A_283 : vector<256x2048xf32>
    %max3A_297 = arith.constant 0.000000e+00 : f32
    %max3A_298 = vector.broadcast %max3A_297 : f32 to vector<256x2048xf32>
    %max3A_299 = arith.maximumf %sub3A_296, %max3A_298 : vector<256x2048xf32>
    %sub3A_300 = arith.subf %min3A_295, %max3A_287 : vector<256x2048xf32>
    %max3A_301 = arith.constant 0.000000e+00 : f32
    %max3A_302 = vector.broadcast %max3A_301 : f32 to vector<256x2048xf32>
    %max3A_303 = arith.maximumf %sub3A_300, %max3A_302 : vector<256x2048xf32>
    %mul3A_304 = arith.mulf %max3A_299, %max3A_303 : vector<256x2048xf32>
    %slice3A_305 = vector.extract_strided_slice %mul3A_243 {offsets = [256, 0], sizes = [256, 1], strides = [1, 1]} : vector<2048x1xf32> to vector<256x1xf32>
    %add3A_306 = vector.broadcast %slice3A_305 : vector<256x1xf32> to vector<256x2048xf32>
    %add3A_307 = vector.broadcast %mul3A_114 : vector<1x2048xf32> to vector<256x2048xf32>
    %add3A_308 = arith.addf %add3A_306, %add3A_307 : vector<256x2048xf32>
    %sub3A_309 = arith.subf %add3A_308, %mul3A_304 : vector<256x2048xf32>
    %add3A_310 = arith.constant 9.99999971E-10 : f32
    %add3A_311 = vector.broadcast %add3A_310 : f32 to vector<256x2048xf32>
    %add3A_312 = arith.addf %sub3A_309, %add3A_311 : vector<256x2048xf32>
    %div3A_313 = arith.divf %mul3A_304, %add3A_312 : vector<256x2048xf32>
    %swap3A_314 = arith.constant 256 : index
    %swap3A_315 = arith.constant 0 : index
    %swap3A_316 = vector.load %arg7[%swap3A_314, %swap3A_315] : memref<2048x2048xf32, #tpu.memory_space<vmem>>, vector<256x2048xf32>
    tpu.vector_store %arg7[%swap3A_314, %swap3A_315], %div3A_313 {strides = array<i32>} : memref<2048x2048xf32, #tpu.memory_space<vmem>>, vector<256x2048xf32>,
    %slice3A_317 = vector.extract_strided_slice %min3A_210 {offsets = [512, 0], sizes = [256, 1], strides = [1, 1]} : vector<2048x1xf32> to vector<256x1xf32>
    %max3A_318 = vector.broadcast %slice3A_317 : vector<256x1xf32> to vector<256x2048xf32>
    %max3A_319 = vector.broadcast %min3A_76 : vector<1x2048xf32> to vector<256x2048xf32>
    %max3A_320 = arith.maximumf %max3A_318, %max3A_319 : vector<256x2048xf32>
    %slice3A_321 = vector.extract_strided_slice %min3A_220 {offsets = [512, 0], sizes = [256, 1], strides = [1, 1]} : vector<2048x1xf32> to vector<256x1xf32>
    %max3A_322 = vector.broadcast %slice3A_321 : vector<256x1xf32> to vector<256x2048xf32>
    %max3A_323 = vector.broadcast %min3A_86 : vector<1x2048xf32> to vector<256x2048xf32>
    %max3A_324 = arith.maximumf %max3A_322, %max3A_323 : vector<256x2048xf32>
    %slice3A_325 = vector.extract_strided_slice %min3A_230 {offsets = [512, 0], sizes = [256, 1], strides = [1, 1]} : vector<2048x1xf32> to vector<256x1xf32>
    %min3A_326 = vector.broadcast %slice3A_325 : vector<256x1xf32> to vector<256x2048xf32>
    %min3A_327 = vector.broadcast %min3A_96 : vector<1x2048xf32> to vector<256x2048xf32>
    %min3A_328 = arith.minimumf %min3A_326, %min3A_327 : vector<256x2048xf32>
    %slice3A_329 = vector.extract_strided_slice %min3A_240 {offsets = [512, 0], sizes = [256, 1], strides = [1, 1]} : vector<2048x1xf32> to vector<256x1xf32>
    %min3A_330 = vector.broadcast %slice3A_329 : vector<256x1xf32> to vector<256x2048xf32>
    %min3A_331 = vector.broadcast %min3A_106 : vector<1x2048xf32> to vector<256x2048xf32>
    %min3A_332 = arith.minimumf %min3A_330, %min3A_331 : vector<256x2048xf32>
    %sub3A_333 = arith.subf %min3A_328, %max3A_320 : vector<256x2048xf32>
    %max3A_334 = arith.constant 0.000000e+00 : f32
    %max3A_335 = vector.broadcast %max3A_334 : f32 to vector<256x2048xf32>
    %max3A_336 = arith.maximumf %sub3A_333, %max3A_335 : vector<256x2048xf32>
    %sub3A_337 = arith.subf %min3A_332, %max3A_324 : vector<256x2048xf32>
    %max3A_338 = arith.constant 0.000000e+00 : f32
    %max3A_339 = vector.broadcast %max3A_338 : f32 to vector<256x2048xf32>
    %max3A_340 = arith.maximumf %sub3A_337, %max3A_339 : vector<256x2048xf32>
    %mul3A_341 = arith.mulf %max3A_336, %max3A_340 : vector<256x2048xf32>
    %slice3A_342 = vector.extract_strided_slice %mul3A_243 {offsets = [512, 0], sizes = [256, 1], strides = [1, 1]} : vector<2048x1xf32> to vector<256x1xf32>
    %add3A_343 = vector.broadcast %slice3A_342 : vector<256x1xf32> to vector<256x2048xf32>
    %add3A_344 = vector.broadcast %mul3A_114 : vector<1x2048xf32> to vector<256x2048xf32>
    %add3A_345 = arith.addf %add3A_343, %add3A_344 : vector<256x2048xf32>
    %sub3A_346 = arith.subf %add3A_345, %mul3A_341 : vector<256x2048xf32>
    %add3A_347 = arith.constant 9.99999971E-10 : f32
    %add3A_348 = vector.broadcast %add3A_347 : f32 to vector<256x2048xf32>
    %add3A_349 = arith.addf %sub3A_346, %add3A_348 : vector<256x2048xf32>
    %div3A_350 = arith.divf %mul3A_341, %add3A_349 : vector<256x2048xf32>
    %swap3A_351 = arith.constant 512 : index
    %swap3A_352 = arith.constant 0 : index
    %swap3A_353 = vector.load %arg7[%swap3A_351, %swap3A_352] : memref<2048x2048xf32, #tpu.memory_space<vmem>>, vector<256x2048xf32>
    tpu.vector_store %arg7[%swap3A_351, %swap3A_352], %div3A_350 {strides = array<i32>} : memref<2048x2048xf32, #tpu.memory_space<vmem>>, vector<256x2048xf32>,
    %slice3A_354 = vector.extract_strided_slice %min3A_210 {offsets = [768, 0], sizes = [256, 1], strides = [1, 1]} : vector<2048x1xf32> to vector<256x1xf32>
    %max3A_355 = vector.broadcast %slice3A_354 : vector<256x1xf32> to vector<256x2048xf32>
    %max3A_356 = vector.broadcast %min3A_76 : vector<1x2048xf32> to vector<256x2048xf32>
    %max3A_357 = arith.maximumf %max3A_355, %max3A_356 : vector<256x2048xf32>
    %slice3A_358 = vector.extract_strided_slice %min3A_220 {offsets = [768, 0], sizes = [256, 1], strides = [1, 1]} : vector<2048x1xf32> to vector<256x1xf32>
    %max3A_359 = vector.broadcast %slice3A_358 : vector<256x1xf32> to vector<256x2048xf32>
    %max3A_360 = vector.broadcast %min3A_86 : vector<1x2048xf32> to vector<256x2048xf32>
    %max3A_361 = arith.maximumf %max3A_359, %max3A_360 : vector<256x2048xf32>
    %slice3A_362 = vector.extract_strided_slice %min3A_230 {offsets = [768, 0], sizes = [256, 1], strides = [1, 1]} : vector<2048x1xf32> to vector<256x1xf32>
    %min3A_363 = vector.broadcast %slice3A_362 : vector<256x1xf32> to vector<256x2048xf32>
    %min3A_364 = vector.broadcast %min3A_96 : vector<1x2048xf32> to vector<256x2048xf32>
    %min3A_365 = arith.minimumf %min3A_363, %min3A_364 : vector<256x2048xf32>
    %slice3A_366 = vector.extract_strided_slice %min3A_240 {offsets = [768, 0], sizes = [256, 1], strides = [1, 1]} : vector<2048x1xf32> to vector<256x1xf32>
    %min3A_367 = vector.broadcast %slice3A_366 : vector<256x1xf32> to vector<256x2048xf32>
    %min3A_368 = vector.broadcast %min3A_106 : vector<1x2048xf32> to vector<256x2048xf32>
    %min3A_369 = arith.minimumf %min3A_367, %min3A_368 : vector<256x2048xf32>
    %sub3A_370 = arith.subf %min3A_365, %max3A_357 : vector<256x2048xf32>
    %max3A_371 = arith.constant 0.000000e+00 : f32
    %max3A_372 = vector.broadcast %max3A_371 : f32 to vector<256x2048xf32>
    %max3A_373 = arith.maximumf %sub3A_370, %max3A_372 : vector<256x2048xf32>
    %sub3A_374 = arith.subf %min3A_369, %max3A_361 : vector<256x2048xf32>
    %max3A_375 = arith.constant 0.000000e+00 : f32
    %max3A_376 = vector.broadcast %max3A_375 : f32 to vector<256x2048xf32>
    %max3A_377 = arith.maximumf %sub3A_374, %max3A_376 : vector<256x2048xf32>
    %mul3A_378 = arith.mulf %max3A_373, %max3A_377 : vector<256x2048xf32>
    %slice3A_379 = vector.extract_strided_slice %mul3A_243 {offsets = [768, 0], sizes = [256, 1], strides = [1, 1]} : vector<2048x1xf32> to vector<256x1xf32>
    %add3A_380 = vector.broadcast %slice3A_379 : vector<256x1xf32> to vector<256x2048xf32>
    %add3A_381 = vector.broadcast %mul3A_114 : vector<1x2048xf32> to vector<256x2048xf32>
    %add3A_382 = arith.addf %add3A_380, %add3A_381 : vector<256x2048xf32>
    %sub3A_383 = arith.subf %add3A_382, %mul3A_378 : vector<256x2048xf32>
    %add3A_384 = arith.constant 9.99999971E-10 : f32
    %add3A_385 = vector.broadcast %add3A_384 : f32 to vector<256x2048xf32>
    %add3A_386 = arith.addf %sub3A_383, %add3A_385 : vector<256x2048xf32>
    %div3A_387 = arith.divf %mul3A_378, %add3A_386 : vector<256x2048xf32>
    %swap3A_388 = arith.constant 768 : index
    %swap3A_389 = arith.constant 0 : index
    %swap3A_390 = vector.load %arg7[%swap3A_388, %swap3A_389] : memref<2048x2048xf32, #tpu.memory_space<vmem>>, vector<256x2048xf32>
    tpu.vector_store %arg7[%swap3A_388, %swap3A_389], %div3A_387 {strides = array<i32>} : memref<2048x2048xf32, #tpu.memory_space<vmem>>, vector<256x2048xf32>,
    %slice3A_391 = vector.extract_strided_slice %min3A_210 {offsets = [1024, 0], sizes = [256, 1], strides = [1, 1]} : vector<2048x1xf32> to vector<256x1xf32>
    %max3A_392 = vector.broadcast %slice3A_391 : vector<256x1xf32> to vector<256x2048xf32>
    %max3A_393 = vector.broadcast %min3A_76 : vector<1x2048xf32> to vector<256x2048xf32>
    %max3A_394 = arith.maximumf %max3A_392, %max3A_393 : vector<256x2048xf32>
    %slice3A_395 = vector.extract_strided_slice %min3A_220 {offsets = [1024, 0], sizes = [256, 1], strides = [1, 1]} : vector<2048x1xf32> to vector<256x1xf32>
    %max3A_396 = vector.broadcast %slice3A_395 : vector<256x1xf32> to vector<256x2048xf32>
    %max3A_397 = vector.broadcast %min3A_86 : vector<1x2048xf32> to vector<256x2048xf32>
    %max3A_398 = arith.maximumf %max3A_396, %max3A_397 : vector<256x2048xf32>
    %slice3A_399 = vector.extract_strided_slice %min3A_230 {offsets = [1024, 0], sizes = [256, 1], strides = [1, 1]} : vector<2048x1xf32> to vector<256x1xf32>
    %min3A_400 = vector.broadcast %slice3A_399 : vector<256x1xf32> to vector<256x2048xf32>
    %min3A_401 = vector.broadcast %min3A_96 : vector<1x2048xf32> to vector<256x2048xf32>
    %min3A_402 = arith.minimumf %min3A_400, %min3A_401 : vector<256x2048xf32>
    %slice3A_403 = vector.extract_strided_slice %min3A_240 {offsets = [1024, 0], sizes = [256, 1], strides = [1, 1]} : vector<2048x1xf32> to vector<256x1xf32>
    %min3A_404 = vector.broadcast %slice3A_403 : vector<256x1xf32> to vector<256x2048xf32>
    %min3A_405 = vector.broadcast %min3A_106 : vector<1x2048xf32> to vector<256x2048xf32>
    %min3A_406 = arith.minimumf %min3A_404, %min3A_405 : vector<256x2048xf32>
    %sub3A_407 = arith.subf %min3A_402, %max3A_394 : vector<256x2048xf32>
    %max3A_408 = arith.constant 0.000000e+00 : f32
    %max3A_409 = vector.broadcast %max3A_408 : f32 to vector<256x2048xf32>
    %max3A_410 = arith.maximumf %sub3A_407, %max3A_409 : vector<256x2048xf32>
    %sub3A_411 = arith.subf %min3A_406, %max3A_398 : vector<256x2048xf32>
    %max3A_412 = arith.constant 0.000000e+00 : f32
    %max3A_413 = vector.broadcast %max3A_412 : f32 to vector<256x2048xf32>
    %max3A_414 = arith.maximumf %sub3A_411, %max3A_413 : vector<256x2048xf32>
    %mul3A_415 = arith.mulf %max3A_410, %max3A_414 : vector<256x2048xf32>
    %slice3A_416 = vector.extract_strided_slice %mul3A_243 {offsets = [1024, 0], sizes = [256, 1], strides = [1, 1]} : vector<2048x1xf32> to vector<256x1xf32>
    %add3A_417 = vector.broadcast %slice3A_416 : vector<256x1xf32> to vector<256x2048xf32>
    %add3A_418 = vector.broadcast %mul3A_114 : vector<1x2048xf32> to vector<256x2048xf32>
    %add3A_419 = arith.addf %add3A_417, %add3A_418 : vector<256x2048xf32>
    %sub3A_420 = arith.subf %add3A_419, %mul3A_415 : vector<256x2048xf32>
    %add3A_421 = arith.constant 9.99999971E-10 : f32
    %add3A_422 = vector.broadcast %add3A_421 : f32 to vector<256x2048xf32>
    %add3A_423 = arith.addf %sub3A_420, %add3A_422 : vector<256x2048xf32>
    %div3A_424 = arith.divf %mul3A_415, %add3A_423 : vector<256x2048xf32>
    %swap3A_425 = arith.constant 1024 : index
    %swap3A_426 = arith.constant 0 : index
    %swap3A_427 = vector.load %arg7[%swap3A_425, %swap3A_426] : memref<2048x2048xf32, #tpu.memory_space<vmem>>, vector<256x2048xf32>
    tpu.vector_store %arg7[%swap3A_425, %swap3A_426], %div3A_424 {strides = array<i32>} : memref<2048x2048xf32, #tpu.memory_space<vmem>>, vector<256x2048xf32>,
    %slice3A_428 = vector.extract_strided_slice %min3A_210 {offsets = [1280, 0], sizes = [256, 1], strides = [1, 1]} : vector<2048x1xf32> to vector<256x1xf32>
    %max3A_429 = vector.broadcast %slice3A_428 : vector<256x1xf32> to vector<256x2048xf32>
    %max3A_430 = vector.broadcast %min3A_76 : vector<1x2048xf32> to vector<256x2048xf32>
    %max3A_431 = arith.maximumf %max3A_429, %max3A_430 : vector<256x2048xf32>
    %slice3A_432 = vector.extract_strided_slice %min3A_220 {offsets = [1280, 0], sizes = [256, 1], strides = [1, 1]} : vector<2048x1xf32> to vector<256x1xf32>
    %max3A_433 = vector.broadcast %slice3A_432 : vector<256x1xf32> to vector<256x2048xf32>
    %max3A_434 = vector.broadcast %min3A_86 : vector<1x2048xf32> to vector<256x2048xf32>
    %max3A_435 = arith.maximumf %max3A_433, %max3A_434 : vector<256x2048xf32>
    %slice3A_436 = vector.extract_strided_slice %min3A_230 {offsets = [1280, 0], sizes = [256, 1], strides = [1, 1]} : vector<2048x1xf32> to vector<256x1xf32>
    %min3A_437 = vector.broadcast %slice3A_436 : vector<256x1xf32> to vector<256x2048xf32>
    %min3A_438 = vector.broadcast %min3A_96 : vector<1x2048xf32> to vector<256x2048xf32>
    %min3A_439 = arith.minimumf %min3A_437, %min3A_438 : vector<256x2048xf32>
    %slice3A_440 = vector.extract_strided_slice %min3A_240 {offsets = [1280, 0], sizes = [256, 1], strides = [1, 1]} : vector<2048x1xf32> to vector<256x1xf32>
    %min3A_441 = vector.broadcast %slice3A_440 : vector<256x1xf32> to vector<256x2048xf32>
    %min3A_442 = vector.broadcast %min3A_106 : vector<1x2048xf32> to vector<256x2048xf32>
    %min3A_443 = arith.minimumf %min3A_441, %min3A_442 : vector<256x2048xf32>
    %sub3A_444 = arith.subf %min3A_439, %max3A_431 : vector<256x2048xf32>
    %max3A_445 = arith.constant 0.000000e+00 : f32
    %max3A_446 = vector.broadcast %max3A_445 : f32 to vector<256x2048xf32>
    %max3A_447 = arith.maximumf %sub3A_444, %max3A_446 : vector<256x2048xf32>
    %sub3A_448 = arith.subf %min3A_443, %max3A_435 : vector<256x2048xf32>
    %max3A_449 = arith.constant 0.000000e+00 : f32
    %max3A_450 = vector.broadcast %max3A_449 : f32 to vector<256x2048xf32>
    %max3A_451 = arith.maximumf %sub3A_448, %max3A_450 : vector<256x2048xf32>
    %mul3A_452 = arith.mulf %max3A_447, %max3A_451 : vector<256x2048xf32>
    %slice3A_453 = vector.extract_strided_slice %mul3A_243 {offsets = [1280, 0], sizes = [256, 1], strides = [1, 1]} : vector<2048x1xf32> to vector<256x1xf32>
    %add3A_454 = vector.broadcast %slice3A_453 : vector<256x1xf32> to vector<256x2048xf32>
    %add3A_455 = vector.broadcast %mul3A_114 : vector<1x2048xf32> to vector<256x2048xf32>
    %add3A_456 = arith.addf %add3A_454, %add3A_455 : vector<256x2048xf32>
    %sub3A_457 = arith.subf %add3A_456, %mul3A_452 : vector<256x2048xf32>
    %add3A_458 = arith.constant 9.99999971E-10 : f32
    %add3A_459 = vector.broadcast %add3A_458 : f32 to vector<256x2048xf32>
    %add3A_460 = arith.addf %sub3A_457, %add3A_459 : vector<256x2048xf32>
    %div3A_461 = arith.divf %mul3A_452, %add3A_460 : vector<256x2048xf32>
    %swap3A_462 = arith.constant 1280 : index
    %swap3A_463 = arith.constant 0 : index
    %swap3A_464 = vector.load %arg7[%swap3A_462, %swap3A_463] : memref<2048x2048xf32, #tpu.memory_space<vmem>>, vector<256x2048xf32>
    tpu.vector_store %arg7[%swap3A_462, %swap3A_463], %div3A_461 {strides = array<i32>} : memref<2048x2048xf32, #tpu.memory_space<vmem>>, vector<256x2048xf32>,
    %slice3A_465 = vector.extract_strided_slice %min3A_210 {offsets = [1536, 0], sizes = [256, 1], strides = [1, 1]} : vector<2048x1xf32> to vector<256x1xf32>
    %max3A_466 = vector.broadcast %slice3A_465 : vector<256x1xf32> to vector<256x2048xf32>
    %max3A_467 = vector.broadcast %min3A_76 : vector<1x2048xf32> to vector<256x2048xf32>
    %max3A_468 = arith.maximumf %max3A_466, %max3A_467 : vector<256x2048xf32>
    %slice3A_469 = vector.extract_strided_slice %min3A_220 {offsets = [1536, 0], sizes = [256, 1], strides = [1, 1]} : vector<2048x1xf32> to vector<256x1xf32>
    %max3A_470 = vector.broadcast %slice3A_469 : vector<256x1xf32> to vector<256x2048xf32>
    %max3A_471 = vector.broadcast %min3A_86 : vector<1x2048xf32> to vector<256x2048xf32>
    %max3A_472 = arith.maximumf %max3A_470, %max3A_471 : vector<256x2048xf32>
    %slice3A_473 = vector.extract_strided_slice %min3A_230 {offsets = [1536, 0], sizes = [256, 1], strides = [1, 1]} : vector<2048x1xf32> to vector<256x1xf32>
    %min3A_474 = vector.broadcast %slice3A_473 : vector<256x1xf32> to vector<256x2048xf32>
    %min3A_475 = vector.broadcast %min3A_96 : vector<1x2048xf32> to vector<256x2048xf32>
    %min3A_476 = arith.minimumf %min3A_474, %min3A_475 : vector<256x2048xf32>
    %slice3A_477 = vector.extract_strided_slice %min3A_240 {offsets = [1536, 0], sizes = [256, 1], strides = [1, 1]} : vector<2048x1xf32> to vector<256x1xf32>
    %min3A_478 = vector.broadcast %slice3A_477 : vector<256x1xf32> to vector<256x2048xf32>
    %min3A_479 = vector.broadcast %min3A_106 : vector<1x2048xf32> to vector<256x2048xf32>
    %min3A_480 = arith.minimumf %min3A_478, %min3A_479 : vector<256x2048xf32>
    %sub3A_481 = arith.subf %min3A_476, %max3A_468 : vector<256x2048xf32>
    %max3A_482 = arith.constant 0.000000e+00 : f32
    %max3A_483 = vector.broadcast %max3A_482 : f32 to vector<256x2048xf32>
    %max3A_484 = arith.maximumf %sub3A_481, %max3A_483 : vector<256x2048xf32>
    %sub3A_485 = arith.subf %min3A_480, %max3A_472 : vector<256x2048xf32>
    %max3A_486 = arith.constant 0.000000e+00 : f32
    %max3A_487 = vector.broadcast %max3A_486 : f32 to vector<256x2048xf32>
    %max3A_488 = arith.maximumf %sub3A_485, %max3A_487 : vector<256x2048xf32>
    %mul3A_489 = arith.mulf %max3A_484, %max3A_488 : vector<256x2048xf32>
    %slice3A_490 = vector.extract_strided_slice %mul3A_243 {offsets = [1536, 0], sizes = [256, 1], strides = [1, 1]} : vector<2048x1xf32> to vector<256x1xf32>
    %add3A_491 = vector.broadcast %slice3A_490 : vector<256x1xf32> to vector<256x2048xf32>
    %add3A_492 = vector.broadcast %mul3A_114 : vector<1x2048xf32> to vector<256x2048xf32>
    %add3A_493 = arith.addf %add3A_491, %add3A_492 : vector<256x2048xf32>
    %sub3A_494 = arith.subf %add3A_493, %mul3A_489 : vector<256x2048xf32>
    %add3A_495 = arith.constant 9.99999971E-10 : f32
    %add3A_496 = vector.broadcast %add3A_495 : f32 to vector<256x2048xf32>
    %add3A_497 = arith.addf %sub3A_494, %add3A_496 : vector<256x2048xf32>
    %div3A_498 = arith.divf %mul3A_489, %add3A_497 : vector<256x2048xf32>
    %swap3A_499 = arith.constant 1536 : index
    %swap3A_500 = arith.constant 0 : index
    %swap3A_501 = vector.load %arg7[%swap3A_499, %swap3A_500] : memref<2048x2048xf32, #tpu.memory_space<vmem>>, vector<256x2048xf32>
    tpu.vector_store %arg7[%swap3A_499, %swap3A_500], %div3A_498 {strides = array<i32>} : memref<2048x2048xf32, #tpu.memory_space<vmem>>, vector<256x2048xf32>,
    %slice3A_502 = vector.extract_strided_slice %min3A_210 {offsets = [1792, 0], sizes = [256, 1], strides = [1, 1]} : vector<2048x1xf32> to vector<256x1xf32>
    %max3A_503 = vector.broadcast %slice3A_502 : vector<256x1xf32> to vector<256x2048xf32>
    %max3A_504 = vector.broadcast %min3A_76 : vector<1x2048xf32> to vector<256x2048xf32>
    %max3A_505 = arith.maximumf %max3A_503, %max3A_504 : vector<256x2048xf32>
    %slice3A_506 = vector.extract_strided_slice %min3A_220 {offsets = [1792, 0], sizes = [256, 1], strides = [1, 1]} : vector<2048x1xf32> to vector<256x1xf32>
    %max3A_507 = vector.broadcast %slice3A_506 : vector<256x1xf32> to vector<256x2048xf32>
    %max3A_508 = vector.broadcast %min3A_86 : vector<1x2048xf32> to vector<256x2048xf32>
    %max3A_509 = arith.maximumf %max3A_507, %max3A_508 : vector<256x2048xf32>
    %slice3A_510 = vector.extract_strided_slice %min3A_230 {offsets = [1792, 0], sizes = [256, 1], strides = [1, 1]} : vector<2048x1xf32> to vector<256x1xf32>
    %min3A_511 = vector.broadcast %slice3A_510 : vector<256x1xf32> to vector<256x2048xf32>
    %min3A_512 = vector.broadcast %min3A_96 : vector<1x2048xf32> to vector<256x2048xf32>
    %min3A_513 = arith.minimumf %min3A_511, %min3A_512 : vector<256x2048xf32>
    %slice3A_514 = vector.extract_strided_slice %min3A_240 {offsets = [1792, 0], sizes = [256, 1], strides = [1, 1]} : vector<2048x1xf32> to vector<256x1xf32>
    %min3A_515 = vector.broadcast %slice3A_514 : vector<256x1xf32> to vector<256x2048xf32>
    %min3A_516 = vector.broadcast %min3A_106 : vector<1x2048xf32> to vector<256x2048xf32>
    %min3A_517 = arith.minimumf %min3A_515, %min3A_516 : vector<256x2048xf32>
    %sub3A_518 = arith.subf %min3A_513, %max3A_505 : vector<256x2048xf32>
    %max3A_519 = arith.constant 0.000000e+00 : f32
    %max3A_520 = vector.broadcast %max3A_519 : f32 to vector<256x2048xf32>
    %max3A_521 = arith.maximumf %sub3A_518, %max3A_520 : vector<256x2048xf32>
    %sub3A_522 = arith.subf %min3A_517, %max3A_509 : vector<256x2048xf32>
    %max3A_523 = arith.constant 0.000000e+00 : f32
    %max3A_524 = vector.broadcast %max3A_523 : f32 to vector<256x2048xf32>
    %max3A_525 = arith.maximumf %sub3A_522, %max3A_524 : vector<256x2048xf32>
    %mul3A_526 = arith.mulf %max3A_521, %max3A_525 : vector<256x2048xf32>
    %slice3A_527 = vector.extract_strided_slice %mul3A_243 {offsets = [1792, 0], sizes = [256, 1], strides = [1, 1]} : vector<2048x1xf32> to vector<256x1xf32>
    %add3A_528 = vector.broadcast %slice3A_527 : vector<256x1xf32> to vector<256x2048xf32>
    %add3A_529 = vector.broadcast %mul3A_114 : vector<1x2048xf32> to vector<256x2048xf32>
    %add3A_530 = arith.addf %add3A_528, %add3A_529 : vector<256x2048xf32>
    %sub3A_531 = arith.subf %add3A_530, %mul3A_526 : vector<256x2048xf32>
    %add3A_532 = arith.constant 9.99999971E-10 : f32
    %add3A_533 = vector.broadcast %add3A_532 : f32 to vector<256x2048xf32>
    %add3A_534 = arith.addf %sub3A_531, %add3A_533 : vector<256x2048xf32>
    %div3A_535 = arith.divf %mul3A_526, %add3A_534 : vector<256x2048xf32>
    %swap3A_536 = arith.constant 1792 : index
    %swap3A_537 = arith.constant 0 : index
    %swap3A_538 = vector.load %arg7[%swap3A_536, %swap3A_537] : memref<2048x2048xf32, #tpu.memory_space<vmem>>, vector<256x2048xf32>
    tpu.vector_store %arg7[%swap3A_536, %swap3A_537], %div3A_535 {strides = array<i32>} : memref<2048x2048xf32, #tpu.memory_space<vmem>>, vector<256x2048xf32>,
    %convert_element_type3A = arith.extui %and3A_124 : vector<1x2048xi1> to vector<1x2048xi32>
    %convert_element_type3A_539 = arith.sitofp %convert_element_type3A : vector<1x2048xi32> to vector<1x2048xf32>
    %sub3A_540 = arith.constant 1.000000e+00 : f32
    %sub3A_541 = vector.broadcast %sub3A_540 : f32 to vector<1x2048xf32>
    %sub3A_542 = arith.subf %sub3A_541, %convert_element_type3A_539 : vector<1x2048xf32>
    %swap3A_543 = arith.constant 0 : index
    %swap3A_544 = arith.constant 0 : index
    %swap3A_545 = vector.load %arg8[%swap3A_543, %swap3A_544] : memref<1x2048xf32, #tpu.memory_space<vmem>>, vector<1x2048xf32>
    tpu.vector_store %arg8[%swap3A_543, %swap3A_544], %sub3A_542 {strides = array<i32>} : memref<1x2048xf32, #tpu.memory_space<vmem>>, vector<1x2048xf32>,
    %iota3A_546 = tpu.iota {dimensions = array<i32: 1>} : vector<1x256xi32>
    %scan3A = arith.constant 0 : i32
    %scan3A_547 = arith.constant 256 : i32
    %scan3A_548 = arith.addi %scan3A, %scan3A_547 : i32
    %scan3A_549 = arith.constant 1 : i32
    scf.for %scan3A_835 = %scan3A to %scan3A_548 step %scan3A_549  : i32 {
      %get3A_836 = arith.constant 0 : index
      %get3A_837 = arith.constant 0 : index
      %get3A_838 = vector.load %arg8[%get3A_836, %get3A_837] : memref<1x2048xf32, #tpu.memory_space<vmem>>, vector<1x256xf32>
      %eq3A_839 = vector.broadcast %scan3A_835 : i32 to vector<1x256xi32>
      %eq3A_840 = arith.cmpi eq, %iota3A_546, %eq3A_839 : vector<1x256xi32>
      %jit3A_841 = arith.constant 0.000000e+00 : f32
      %broadcast_in_dim3A = vector.broadcast %jit3A_841 : f32 to vector<1x256xf32>
      %select_n3A = arith.select %eq3A_840, %get3A_838, %broadcast_in_dim3A : vector<1x256xi1>, vector<1x256xf32>
      %reduce_max3A = vector.shape_cast %select_n3A : vector<1x256xf32> to vector<1x1x256xf32>
      %reduce_max3A_842 = arith.constant dense<0xFF800000> : vector<1xf32>
      %reduce_max3A_843 = vector.multi_reduction <maximumf>, %reduce_max3A, %reduce_max3A_842 [1, 2] : vector<1x1x256xf32> to vector<1xf32>
      %reduce_max3A_844 = vector.shape_cast %reduce_max3A_843 : vector<1xf32> to vector<1x1x1xf32>
      %reduce_max3A_845 = vector.extract %reduce_max3A_844[0, 0, 0] : f32 from vector<1x1x1xf32>
      %sub3A_846 = arith.constant 1.000000e+00 : f32
      %sub3A_847 = arith.subf %sub3A_846, %reduce_max3A_845 : f32
      %add3A_848 = arith.constant 0 : i32
      %add3A_849 = arith.addi %add3A_848, %scan3A_835 : i32
      %get3A_850 = arith.index_cast %add3A_849 : i32 to index
      %get3A_851 = arith.constant 0 : index
      %get3A_852 = vector.load %arg7[%get3A_850, %get3A_851] : memref<2048x2048xf32, #tpu.memory_space<vmem>>, vector<1x256xf32>
      %gt3A_853 = arith.constant 0.699999988 : f32
      %gt3A_854 = vector.broadcast %gt3A_853 : f32 to vector<1x256xf32>
      %gt3A_855 = arith.cmpf ogt, %get3A_852, %gt3A_854 : vector<1x256xf32>
      %gt3A_856 = vector.broadcast %scan3A_835 : i32 to vector<1x256xi32>
      %gt3A_857 = arith.cmpi sgt, %iota3A_546, %gt3A_856 : vector<1x256xi32>
      %and3A_858 = arith.andi %gt3A_855, %gt3A_857 : vector<1x256xi1>
      %convert_element_type3A_859 = arith.extui %and3A_858 : vector<1x256xi1> to vector<1x256xi32>
      %convert_element_type3A_860 = arith.sitofp %convert_element_type3A_859 : vector<1x256xi32> to vector<1x256xf32>
      %mul3A_861 = vector.broadcast %sub3A_847 : f32 to vector<1x256xf32>
      %mul3A_862 = arith.mulf %convert_element_type3A_860, %mul3A_861 : vector<1x256xf32>
      %max3A_863 = arith.maximumf %get3A_838, %mul3A_862 : vector<1x256xf32>
      %swap3A_864 = arith.constant 0 : index
      %swap3A_865 = arith.constant 0 : index
      %swap3A_866 = vector.load %arg8[%swap3A_864, %swap3A_865] : memref<1x2048xf32, #tpu.memory_space<vmem>>, vector<1x256xf32>
      tpu.vector_store %arg8[%swap3A_864, %swap3A_865], %max3A_863 {strides = array<i32>} : memref<1x2048xf32, #tpu.memory_space<vmem>>, vector<1x256xf32>,
    }
    %scan3A_550 = arith.constant 256 : i32
    %get3A_551 = arith.constant 0 : index
    %get3A_552 = arith.constant 0 : index
    %get3A_553 = vector.load %arg8[%get3A_551, %get3A_552] : memref<1x2048xf32, #tpu.memory_space<vmem>>, vector<1x256xf32>
    %eq3A = arith.constant 0.000000e+00 : f32
    %eq3A_554 = vector.broadcast %eq3A : f32 to vector<1x256xf32>
    %eq3A_555 = arith.cmpf oeq, %get3A_553, %eq3A_554 : vector<1x256xf32>
    %convert_element_type3A_556 = arith.extui %eq3A_555 : vector<1x256xi1> to vector<1x256xi32>
    %convert_element_type3A_557 = arith.sitofp %convert_element_type3A_556 : vector<1x256xi32> to vector<1x256xf32>
    %get3A_558 = arith.constant 0 : index
    %get3A_559 = arith.constant 0 : index
    %get3A_560 = vector.load %arg7[%get3A_558, %get3A_559] : memref<2048x2048xf32, #tpu.memory_space<vmem>>, vector<256x2048xf32>
    %gt3A = arith.constant 0.699999988 : f32
    %gt3A_561 = vector.broadcast %gt3A : f32 to vector<256x2048xf32>
    %gt3A_562 = arith.cmpf ogt, %get3A_560, %gt3A_561 : vector<256x2048xf32>
    %convert_element_type3A_563 = arith.extui %gt3A_562 : vector<256x2048xi1> to vector<256x2048xi32>
    %convert_element_type3A_564 = arith.sitofp %convert_element_type3A_563 : vector<256x2048xi32> to vector<256x2048xf32>
    %dot_general3A = arith.constant dense<0.000000e+00> : vector<1x2048xf32>
    %dot_general3A_565 = tpu.matmul %convert_element_type3A_557, %convert_element_type3A_564, %dot_general3A {dimension_numbers = #tpu.dot_dimension_numbers<[1], [0], [0], [1], [0, 0, 1, 1], [], []>, transpose_lhs_hint = false} : vector<1x256xf32>, vector<256x2048xf32>, vector<1x2048xf32> -> vector<1x2048xf32>
    %gt3A_566 = arith.constant 0.000000e+00 : f32
    %gt3A_567 = vector.broadcast %gt3A_566 : f32 to vector<1x2048xf32>
    %gt3A_568 = arith.cmpf ogt, %dot_general3A_565, %gt3A_567 : vector<1x2048xf32>
    %ge3A_569 = arith.constant 256 : i32
    %ge3A_570 = vector.broadcast %ge3A_569 : i32 to vector<1x2048xi32>
    %ge3A_571 = arith.cmpi sge, %iota3A, %ge3A_570 : vector<1x2048xi32>
    %and3A_572 = arith.andi %gt3A_568, %ge3A_571 : vector<1x2048xi1>
    %convert_element_type3A_573 = arith.extui %and3A_572 : vector<1x2048xi1> to vector<1x2048xi32>
    %convert_element_type3A_574 = arith.sitofp %convert_element_type3A_573 : vector<1x2048xi32> to vector<1x2048xf32>
    %get3A_575 = arith.constant 0 : index
    %get3A_576 = arith.constant 0 : index
    %get3A_577 = vector.load %arg8[%get3A_575, %get3A_576] : memref<1x2048xf32, #tpu.memory_space<vmem>>, vector<1x2048xf32>
    %max3A_578 = arith.maximumf %get3A_577, %convert_element_type3A_574 : vector<1x2048xf32>
    %swap3A_579 = arith.constant 0 : index
    %swap3A_580 = arith.constant 0 : index
    %swap3A_581 = vector.load %arg8[%swap3A_579, %swap3A_580] : memref<1x2048xf32, #tpu.memory_space<vmem>>, vector<1x2048xf32>
    tpu.vector_store %arg8[%swap3A_579, %swap3A_580], %max3A_578 {strides = array<i32>} : memref<1x2048xf32, #tpu.memory_space<vmem>>, vector<1x2048xf32>,
    %scan3A_582 = arith.constant 0 : i32
    %scan3A_583 = arith.constant 256 : i32
    %scan3A_584 = arith.addi %scan3A_582, %scan3A_583 : i32
    %scan3A_585 = arith.constant 1 : i32
    scf.for %scan3A_835 = %scan3A_582 to %scan3A_584 step %scan3A_585  : i32 {
      %get3A_836 = arith.constant 0 : index
      %get3A_837 = arith.constant 256 : index
      %get3A_838 = vector.load %arg8[%get3A_836, %get3A_837] : memref<1x2048xf32, #tpu.memory_space<vmem>>, vector<1x256xf32>
      %eq3A_839 = vector.broadcast %scan3A_835 : i32 to vector<1x256xi32>
      %eq3A_840 = arith.cmpi eq, %iota3A_546, %eq3A_839 : vector<1x256xi32>
      %jit3A_841 = arith.constant 0.000000e+00 : f32
      %broadcast_in_dim3A = vector.broadcast %jit3A_841 : f32 to vector<1x256xf32>
      %select_n3A = arith.select %eq3A_840, %get3A_838, %broadcast_in_dim3A : vector<1x256xi1>, vector<1x256xf32>
      %reduce_max3A = vector.shape_cast %select_n3A : vector<1x256xf32> to vector<1x1x256xf32>
      %reduce_max3A_842 = arith.constant dense<0xFF800000> : vector<1xf32>
      %reduce_max3A_843 = vector.multi_reduction <maximumf>, %reduce_max3A, %reduce_max3A_842 [1, 2] : vector<1x1x256xf32> to vector<1xf32>
      %reduce_max3A_844 = vector.shape_cast %reduce_max3A_843 : vector<1xf32> to vector<1x1x1xf32>
      %reduce_max3A_845 = vector.extract %reduce_max3A_844[0, 0, 0] : f32 from vector<1x1x1xf32>
      %sub3A_846 = arith.constant 1.000000e+00 : f32
      %sub3A_847 = arith.subf %sub3A_846, %reduce_max3A_845 : f32
      %add3A_848 = arith.constant 256 : i32
      %add3A_849 = arith.addi %add3A_848, %scan3A_835 : i32
      %get3A_850 = arith.index_cast %add3A_849 : i32 to index
      %get3A_851 = arith.constant 256 : index
      %get3A_852 = vector.load %arg7[%get3A_850, %get3A_851] : memref<2048x2048xf32, #tpu.memory_space<vmem>>, vector<1x256xf32>
      %gt3A_853 = arith.constant 0.699999988 : f32
      %gt3A_854 = vector.broadcast %gt3A_853 : f32 to vector<1x256xf32>
      %gt3A_855 = arith.cmpf ogt, %get3A_852, %gt3A_854 : vector<1x256xf32>
      %gt3A_856 = vector.broadcast %scan3A_835 : i32 to vector<1x256xi32>
      %gt3A_857 = arith.cmpi sgt, %iota3A_546, %gt3A_856 : vector<1x256xi32>
      %and3A_858 = arith.andi %gt3A_855, %gt3A_857 : vector<1x256xi1>
      %convert_element_type3A_859 = arith.extui %and3A_858 : vector<1x256xi1> to vector<1x256xi32>
      %convert_element_type3A_860 = arith.sitofp %convert_element_type3A_859 : vector<1x256xi32> to vector<1x256xf32>
      %mul3A_861 = vector.broadcast %sub3A_847 : f32 to vector<1x256xf32>
      %mul3A_862 = arith.mulf %convert_element_type3A_860, %mul3A_861 : vector<1x256xf32>
      %max3A_863 = arith.maximumf %get3A_838, %mul3A_862 : vector<1x256xf32>
      %swap3A_864 = arith.constant 0 : index
      %swap3A_865 = arith.constant 256 : index
      %swap3A_866 = vector.load %arg8[%swap3A_864, %swap3A_865] : memref<1x2048xf32, #tpu.memory_space<vmem>>, vector<1x256xf32>
      tpu.vector_store %arg8[%swap3A_864, %swap3A_865], %max3A_863 {strides = array<i32>} : memref<1x2048xf32, #tpu.memory_space<vmem>>, vector<1x256xf32>,
    }
    %scan3A_586 = arith.constant 256 : i32
    %get3A_587 = arith.constant 0 : index
    %get3A_588 = arith.constant 256 : index
    %get3A_589 = vector.load %arg8[%get3A_587, %get3A_588] : memref<1x2048xf32, #tpu.memory_space<vmem>>, vector<1x256xf32>
    %eq3A_590 = arith.constant 0.000000e+00 : f32
    %eq3A_591 = vector.broadcast %eq3A_590 : f32 to vector<1x256xf32>
    %eq3A_592 = arith.cmpf oeq, %get3A_589, %eq3A_591 : vector<1x256xf32>
    %convert_element_type3A_593 = arith.extui %eq3A_592 : vector<1x256xi1> to vector<1x256xi32>
    %convert_element_type3A_594 = arith.sitofp %convert_element_type3A_593 : vector<1x256xi32> to vector<1x256xf32>
    %get3A_595 = arith.constant 256 : index
    %get3A_596 = arith.constant 0 : index
    %get3A_597 = vector.load %arg7[%get3A_595, %get3A_596] : memref<2048x2048xf32, #tpu.memory_space<vmem>>, vector<256x2048xf32>
    %gt3A_598 = arith.constant 0.699999988 : f32
    %gt3A_599 = vector.broadcast %gt3A_598 : f32 to vector<256x2048xf32>
    %gt3A_600 = arith.cmpf ogt, %get3A_597, %gt3A_599 : vector<256x2048xf32>
    %convert_element_type3A_601 = arith.extui %gt3A_600 : vector<256x2048xi1> to vector<256x2048xi32>
    %convert_element_type3A_602 = arith.sitofp %convert_element_type3A_601 : vector<256x2048xi32> to vector<256x2048xf32>
    %dot_general3A_603 = arith.constant dense<0.000000e+00> : vector<1x2048xf32>
    %dot_general3A_604 = tpu.matmul %convert_element_type3A_594, %convert_element_type3A_602, %dot_general3A_603 {dimension_numbers = #tpu.dot_dimension_numbers<[1], [0], [0], [1], [0, 0, 1, 1], [], []>, transpose_lhs_hint = false} : vector<1x256xf32>, vector<256x2048xf32>, vector<1x2048xf32> -> vector<1x2048xf32>
    %gt3A_605 = arith.constant 0.000000e+00 : f32
    %gt3A_606 = vector.broadcast %gt3A_605 : f32 to vector<1x2048xf32>
    %gt3A_607 = arith.cmpf ogt, %dot_general3A_604, %gt3A_606 : vector<1x2048xf32>
    %ge3A_608 = arith.constant 512 : i32
    %ge3A_609 = vector.broadcast %ge3A_608 : i32 to vector<1x2048xi32>
    %ge3A_610 = arith.cmpi sge, %iota3A, %ge3A_609 : vector<1x2048xi32>
    %and3A_611 = arith.andi %gt3A_607, %ge3A_610 : vector<1x2048xi1>
    %convert_element_type3A_612 = arith.extui %and3A_611 : vector<1x2048xi1> to vector<1x2048xi32>
    %convert_element_type3A_613 = arith.sitofp %convert_element_type3A_612 : vector<1x2048xi32> to vector<1x2048xf32>
    %get3A_614 = arith.constant 0 : index
    %get3A_615 = arith.constant 0 : index
    %get3A_616 = vector.load %arg8[%get3A_614, %get3A_615] : memref<1x2048xf32, #tpu.memory_space<vmem>>, vector<1x2048xf32>
    %max3A_617 = arith.maximumf %get3A_616, %convert_element_type3A_613 : vector<1x2048xf32>
    %swap3A_618 = arith.constant 0 : index
    %swap3A_619 = arith.constant 0 : index
    %swap3A_620 = vector.load %arg8[%swap3A_618, %swap3A_619] : memref<1x2048xf32, #tpu.memory_space<vmem>>, vector<1x2048xf32>
    tpu.vector_store %arg8[%swap3A_618, %swap3A_619], %max3A_617 {strides = array<i32>} : memref<1x2048xf32, #tpu.memory_space<vmem>>, vector<1x2048xf32>,
    %scan3A_621 = arith.constant 0 : i32
    %scan3A_622 = arith.constant 256 : i32
    %scan3A_623 = arith.addi %scan3A_621, %scan3A_622 : i32
    %scan3A_624 = arith.constant 1 : i32
    scf.for %scan3A_835 = %scan3A_621 to %scan3A_623 step %scan3A_624  : i32 {
      %get3A_836 = arith.constant 0 : index
      %get3A_837 = arith.constant 512 : index
      %get3A_838 = vector.load %arg8[%get3A_836, %get3A_837] : memref<1x2048xf32, #tpu.memory_space<vmem>>, vector<1x256xf32>
      %eq3A_839 = vector.broadcast %scan3A_835 : i32 to vector<1x256xi32>
      %eq3A_840 = arith.cmpi eq, %iota3A_546, %eq3A_839 : vector<1x256xi32>
      %jit3A_841 = arith.constant 0.000000e+00 : f32
      %broadcast_in_dim3A = vector.broadcast %jit3A_841 : f32 to vector<1x256xf32>
      %select_n3A = arith.select %eq3A_840, %get3A_838, %broadcast_in_dim3A : vector<1x256xi1>, vector<1x256xf32>
      %reduce_max3A = vector.shape_cast %select_n3A : vector<1x256xf32> to vector<1x1x256xf32>
      %reduce_max3A_842 = arith.constant dense<0xFF800000> : vector<1xf32>
      %reduce_max3A_843 = vector.multi_reduction <maximumf>, %reduce_max3A, %reduce_max3A_842 [1, 2] : vector<1x1x256xf32> to vector<1xf32>
      %reduce_max3A_844 = vector.shape_cast %reduce_max3A_843 : vector<1xf32> to vector<1x1x1xf32>
      %reduce_max3A_845 = vector.extract %reduce_max3A_844[0, 0, 0] : f32 from vector<1x1x1xf32>
      %sub3A_846 = arith.constant 1.000000e+00 : f32
      %sub3A_847 = arith.subf %sub3A_846, %reduce_max3A_845 : f32
      %add3A_848 = arith.constant 512 : i32
      %add3A_849 = arith.addi %add3A_848, %scan3A_835 : i32
      %get3A_850 = arith.index_cast %add3A_849 : i32 to index
      %get3A_851 = arith.constant 512 : index
      %get3A_852 = vector.load %arg7[%get3A_850, %get3A_851] : memref<2048x2048xf32, #tpu.memory_space<vmem>>, vector<1x256xf32>
      %gt3A_853 = arith.constant 0.699999988 : f32
      %gt3A_854 = vector.broadcast %gt3A_853 : f32 to vector<1x256xf32>
      %gt3A_855 = arith.cmpf ogt, %get3A_852, %gt3A_854 : vector<1x256xf32>
      %gt3A_856 = vector.broadcast %scan3A_835 : i32 to vector<1x256xi32>
      %gt3A_857 = arith.cmpi sgt, %iota3A_546, %gt3A_856 : vector<1x256xi32>
      %and3A_858 = arith.andi %gt3A_855, %gt3A_857 : vector<1x256xi1>
      %convert_element_type3A_859 = arith.extui %and3A_858 : vector<1x256xi1> to vector<1x256xi32>
      %convert_element_type3A_860 = arith.sitofp %convert_element_type3A_859 : vector<1x256xi32> to vector<1x256xf32>
      %mul3A_861 = vector.broadcast %sub3A_847 : f32 to vector<1x256xf32>
      %mul3A_862 = arith.mulf %convert_element_type3A_860, %mul3A_861 : vector<1x256xf32>
      %max3A_863 = arith.maximumf %get3A_838, %mul3A_862 : vector<1x256xf32>
      %swap3A_864 = arith.constant 0 : index
      %swap3A_865 = arith.constant 512 : index
      %swap3A_866 = vector.load %arg8[%swap3A_864, %swap3A_865] : memref<1x2048xf32, #tpu.memory_space<vmem>>, vector<1x256xf32>
      tpu.vector_store %arg8[%swap3A_864, %swap3A_865], %max3A_863 {strides = array<i32>} : memref<1x2048xf32, #tpu.memory_space<vmem>>, vector<1x256xf32>,
    }
    %scan3A_625 = arith.constant 256 : i32
    %get3A_626 = arith.constant 0 : index
    %get3A_627 = arith.constant 512 : index
    %get3A_628 = vector.load %arg8[%get3A_626, %get3A_627] : memref<1x2048xf32, #tpu.memory_space<vmem>>, vector<1x256xf32>
    %eq3A_629 = arith.constant 0.000000e+00 : f32
    %eq3A_630 = vector.broadcast %eq3A_629 : f32 to vector<1x256xf32>
    %eq3A_631 = arith.cmpf oeq, %get3A_628, %eq3A_630 : vector<1x256xf32>
    %convert_element_type3A_632 = arith.extui %eq3A_631 : vector<1x256xi1> to vector<1x256xi32>
    %convert_element_type3A_633 = arith.sitofp %convert_element_type3A_632 : vector<1x256xi32> to vector<1x256xf32>
    %get3A_634 = arith.constant 512 : index
    %get3A_635 = arith.constant 0 : index
    %get3A_636 = vector.load %arg7[%get3A_634, %get3A_635] : memref<2048x2048xf32, #tpu.memory_space<vmem>>, vector<256x2048xf32>
    %gt3A_637 = arith.constant 0.699999988 : f32
    %gt3A_638 = vector.broadcast %gt3A_637 : f32 to vector<256x2048xf32>
    %gt3A_639 = arith.cmpf ogt, %get3A_636, %gt3A_638 : vector<256x2048xf32>
    %convert_element_type3A_640 = arith.extui %gt3A_639 : vector<256x2048xi1> to vector<256x2048xi32>
    %convert_element_type3A_641 = arith.sitofp %convert_element_type3A_640 : vector<256x2048xi32> to vector<256x2048xf32>
    %dot_general3A_642 = arith.constant dense<0.000000e+00> : vector<1x2048xf32>
    %dot_general3A_643 = tpu.matmul %convert_element_type3A_633, %convert_element_type3A_641, %dot_general3A_642 {dimension_numbers = #tpu.dot_dimension_numbers<[1], [0], [0], [1], [0, 0, 1, 1], [], []>, transpose_lhs_hint = false} : vector<1x256xf32>, vector<256x2048xf32>, vector<1x2048xf32> -> vector<1x2048xf32>
    %gt3A_644 = arith.constant 0.000000e+00 : f32
    %gt3A_645 = vector.broadcast %gt3A_644 : f32 to vector<1x2048xf32>
    %gt3A_646 = arith.cmpf ogt, %dot_general3A_643, %gt3A_645 : vector<1x2048xf32>
    %ge3A_647 = arith.constant 768 : i32
    %ge3A_648 = vector.broadcast %ge3A_647 : i32 to vector<1x2048xi32>
    %ge3A_649 = arith.cmpi sge, %iota3A, %ge3A_648 : vector<1x2048xi32>
    %and3A_650 = arith.andi %gt3A_646, %ge3A_649 : vector<1x2048xi1>
    %convert_element_type3A_651 = arith.extui %and3A_650 : vector<1x2048xi1> to vector<1x2048xi32>
    %convert_element_type3A_652 = arith.sitofp %convert_element_type3A_651 : vector<1x2048xi32> to vector<1x2048xf32>
    %get3A_653 = arith.constant 0 : index
    %get3A_654 = arith.constant 0 : index
    %get3A_655 = vector.load %arg8[%get3A_653, %get3A_654] : memref<1x2048xf32, #tpu.memory_space<vmem>>, vector<1x2048xf32>
    %max3A_656 = arith.maximumf %get3A_655, %convert_element_type3A_652 : vector<1x2048xf32>
    %swap3A_657 = arith.constant 0 : index
    %swap3A_658 = arith.constant 0 : index
    %swap3A_659 = vector.load %arg8[%swap3A_657, %swap3A_658] : memref<1x2048xf32, #tpu.memory_space<vmem>>, vector<1x2048xf32>
    tpu.vector_store %arg8[%swap3A_657, %swap3A_658], %max3A_656 {strides = array<i32>} : memref<1x2048xf32, #tpu.memory_space<vmem>>, vector<1x2048xf32>,
    %scan3A_660 = arith.constant 0 : i32
    %scan3A_661 = arith.constant 256 : i32
    %scan3A_662 = arith.addi %scan3A_660, %scan3A_661 : i32
    %scan3A_663 = arith.constant 1 : i32
    scf.for %scan3A_835 = %scan3A_660 to %scan3A_662 step %scan3A_663  : i32 {
      %get3A_836 = arith.constant 0 : index
      %get3A_837 = arith.constant 768 : index
      %get3A_838 = vector.load %arg8[%get3A_836, %get3A_837] : memref<1x2048xf32, #tpu.memory_space<vmem>>, vector<1x256xf32>
      %eq3A_839 = vector.broadcast %scan3A_835 : i32 to vector<1x256xi32>
      %eq3A_840 = arith.cmpi eq, %iota3A_546, %eq3A_839 : vector<1x256xi32>
      %jit3A_841 = arith.constant 0.000000e+00 : f32
      %broadcast_in_dim3A = vector.broadcast %jit3A_841 : f32 to vector<1x256xf32>
      %select_n3A = arith.select %eq3A_840, %get3A_838, %broadcast_in_dim3A : vector<1x256xi1>, vector<1x256xf32>
      %reduce_max3A = vector.shape_cast %select_n3A : vector<1x256xf32> to vector<1x1x256xf32>
      %reduce_max3A_842 = arith.constant dense<0xFF800000> : vector<1xf32>
      %reduce_max3A_843 = vector.multi_reduction <maximumf>, %reduce_max3A, %reduce_max3A_842 [1, 2] : vector<1x1x256xf32> to vector<1xf32>
      %reduce_max3A_844 = vector.shape_cast %reduce_max3A_843 : vector<1xf32> to vector<1x1x1xf32>
      %reduce_max3A_845 = vector.extract %reduce_max3A_844[0, 0, 0] : f32 from vector<1x1x1xf32>
      %sub3A_846 = arith.constant 1.000000e+00 : f32
      %sub3A_847 = arith.subf %sub3A_846, %reduce_max3A_845 : f32
      %add3A_848 = arith.constant 768 : i32
      %add3A_849 = arith.addi %add3A_848, %scan3A_835 : i32
      %get3A_850 = arith.index_cast %add3A_849 : i32 to index
      %get3A_851 = arith.constant 768 : index
      %get3A_852 = vector.load %arg7[%get3A_850, %get3A_851] : memref<2048x2048xf32, #tpu.memory_space<vmem>>, vector<1x256xf32>
      %gt3A_853 = arith.constant 0.699999988 : f32
      %gt3A_854 = vector.broadcast %gt3A_853 : f32 to vector<1x256xf32>
      %gt3A_855 = arith.cmpf ogt, %get3A_852, %gt3A_854 : vector<1x256xf32>
      %gt3A_856 = vector.broadcast %scan3A_835 : i32 to vector<1x256xi32>
      %gt3A_857 = arith.cmpi sgt, %iota3A_546, %gt3A_856 : vector<1x256xi32>
      %and3A_858 = arith.andi %gt3A_855, %gt3A_857 : vector<1x256xi1>
      %convert_element_type3A_859 = arith.extui %and3A_858 : vector<1x256xi1> to vector<1x256xi32>
      %convert_element_type3A_860 = arith.sitofp %convert_element_type3A_859 : vector<1x256xi32> to vector<1x256xf32>
      %mul3A_861 = vector.broadcast %sub3A_847 : f32 to vector<1x256xf32>
      %mul3A_862 = arith.mulf %convert_element_type3A_860, %mul3A_861 : vector<1x256xf32>
      %max3A_863 = arith.maximumf %get3A_838, %mul3A_862 : vector<1x256xf32>
      %swap3A_864 = arith.constant 0 : index
      %swap3A_865 = arith.constant 768 : index
      %swap3A_866 = vector.load %arg8[%swap3A_864, %swap3A_865] : memref<1x2048xf32, #tpu.memory_space<vmem>>, vector<1x256xf32>
      tpu.vector_store %arg8[%swap3A_864, %swap3A_865], %max3A_863 {strides = array<i32>} : memref<1x2048xf32, #tpu.memory_space<vmem>>, vector<1x256xf32>,
    }
    %scan3A_664 = arith.constant 256 : i32
    %get3A_665 = arith.constant 0 : index
    %get3A_666 = arith.constant 768 : index
    %get3A_667 = vector.load %arg8[%get3A_665, %get3A_666] : memref<1x2048xf32, #tpu.memory_space<vmem>>, vector<1x256xf32>
    %eq3A_668 = arith.constant 0.000000e+00 : f32
    %eq3A_669 = vector.broadcast %eq3A_668 : f32 to vector<1x256xf32>
    %eq3A_670 = arith.cmpf oeq, %get3A_667, %eq3A_669 : vector<1x256xf32>
    %convert_element_type3A_671 = arith.extui %eq3A_670 : vector<1x256xi1> to vector<1x256xi32>
    %convert_element_type3A_672 = arith.sitofp %convert_element_type3A_671 : vector<1x256xi32> to vector<1x256xf32>
    %get3A_673 = arith.constant 768 : index
    %get3A_674 = arith.constant 0 : index
    %get3A_675 = vector.load %arg7[%get3A_673, %get3A_674] : memref<2048x2048xf32, #tpu.memory_space<vmem>>, vector<256x2048xf32>
    %gt3A_676 = arith.constant 0.699999988 : f32
    %gt3A_677 = vector.broadcast %gt3A_676 : f32 to vector<256x2048xf32>
    %gt3A_678 = arith.cmpf ogt, %get3A_675, %gt3A_677 : vector<256x2048xf32>
    %convert_element_type3A_679 = arith.extui %gt3A_678 : vector<256x2048xi1> to vector<256x2048xi32>
    %convert_element_type3A_680 = arith.sitofp %convert_element_type3A_679 : vector<256x2048xi32> to vector<256x2048xf32>
    %dot_general3A_681 = arith.constant dense<0.000000e+00> : vector<1x2048xf32>
    %dot_general3A_682 = tpu.matmul %convert_element_type3A_672, %convert_element_type3A_680, %dot_general3A_681 {dimension_numbers = #tpu.dot_dimension_numbers<[1], [0], [0], [1], [0, 0, 1, 1], [], []>, transpose_lhs_hint = false} : vector<1x256xf32>, vector<256x2048xf32>, vector<1x2048xf32> -> vector<1x2048xf32>
    %gt3A_683 = arith.constant 0.000000e+00 : f32
    %gt3A_684 = vector.broadcast %gt3A_683 : f32 to vector<1x2048xf32>
    %gt3A_685 = arith.cmpf ogt, %dot_general3A_682, %gt3A_684 : vector<1x2048xf32>
    %ge3A_686 = arith.constant 1024 : i32
    %ge3A_687 = vector.broadcast %ge3A_686 : i32 to vector<1x2048xi32>
    %ge3A_688 = arith.cmpi sge, %iota3A, %ge3A_687 : vector<1x2048xi32>
    %and3A_689 = arith.andi %gt3A_685, %ge3A_688 : vector<1x2048xi1>
    %convert_element_type3A_690 = arith.extui %and3A_689 : vector<1x2048xi1> to vector<1x2048xi32>
    %convert_element_type3A_691 = arith.sitofp %convert_element_type3A_690 : vector<1x2048xi32> to vector<1x2048xf32>
    %get3A_692 = arith.constant 0 : index
    %get3A_693 = arith.constant 0 : index
    %get3A_694 = vector.load %arg8[%get3A_692, %get3A_693] : memref<1x2048xf32, #tpu.memory_space<vmem>>, vector<1x2048xf32>
    %max3A_695 = arith.maximumf %get3A_694, %convert_element_type3A_691 : vector<1x2048xf32>
    %swap3A_696 = arith.constant 0 : index
    %swap3A_697 = arith.constant 0 : index
    %swap3A_698 = vector.load %arg8[%swap3A_696, %swap3A_697] : memref<1x2048xf32, #tpu.memory_space<vmem>>, vector<1x2048xf32>
    tpu.vector_store %arg8[%swap3A_696, %swap3A_697], %max3A_695 {strides = array<i32>} : memref<1x2048xf32, #tpu.memory_space<vmem>>, vector<1x2048xf32>,
    %scan3A_699 = arith.constant 0 : i32
    %scan3A_700 = arith.constant 256 : i32
    %scan3A_701 = arith.addi %scan3A_699, %scan3A_700 : i32
    %scan3A_702 = arith.constant 1 : i32
    scf.for %scan3A_835 = %scan3A_699 to %scan3A_701 step %scan3A_702  : i32 {
      %get3A_836 = arith.constant 0 : index
      %get3A_837 = arith.constant 1024 : index
      %get3A_838 = vector.load %arg8[%get3A_836, %get3A_837] : memref<1x2048xf32, #tpu.memory_space<vmem>>, vector<1x256xf32>
      %eq3A_839 = vector.broadcast %scan3A_835 : i32 to vector<1x256xi32>
      %eq3A_840 = arith.cmpi eq, %iota3A_546, %eq3A_839 : vector<1x256xi32>
      %jit3A_841 = arith.constant 0.000000e+00 : f32
      %broadcast_in_dim3A = vector.broadcast %jit3A_841 : f32 to vector<1x256xf32>
      %select_n3A = arith.select %eq3A_840, %get3A_838, %broadcast_in_dim3A : vector<1x256xi1>, vector<1x256xf32>
      %reduce_max3A = vector.shape_cast %select_n3A : vector<1x256xf32> to vector<1x1x256xf32>
      %reduce_max3A_842 = arith.constant dense<0xFF800000> : vector<1xf32>
      %reduce_max3A_843 = vector.multi_reduction <maximumf>, %reduce_max3A, %reduce_max3A_842 [1, 2] : vector<1x1x256xf32> to vector<1xf32>
      %reduce_max3A_844 = vector.shape_cast %reduce_max3A_843 : vector<1xf32> to vector<1x1x1xf32>
      %reduce_max3A_845 = vector.extract %reduce_max3A_844[0, 0, 0] : f32 from vector<1x1x1xf32>
      %sub3A_846 = arith.constant 1.000000e+00 : f32
      %sub3A_847 = arith.subf %sub3A_846, %reduce_max3A_845 : f32
      %add3A_848 = arith.constant 1024 : i32
      %add3A_849 = arith.addi %add3A_848, %scan3A_835 : i32
      %get3A_850 = arith.index_cast %add3A_849 : i32 to index
      %get3A_851 = arith.constant 1024 : index
      %get3A_852 = vector.load %arg7[%get3A_850, %get3A_851] : memref<2048x2048xf32, #tpu.memory_space<vmem>>, vector<1x256xf32>
      %gt3A_853 = arith.constant 0.699999988 : f32
      %gt3A_854 = vector.broadcast %gt3A_853 : f32 to vector<1x256xf32>
      %gt3A_855 = arith.cmpf ogt, %get3A_852, %gt3A_854 : vector<1x256xf32>
      %gt3A_856 = vector.broadcast %scan3A_835 : i32 to vector<1x256xi32>
      %gt3A_857 = arith.cmpi sgt, %iota3A_546, %gt3A_856 : vector<1x256xi32>
      %and3A_858 = arith.andi %gt3A_855, %gt3A_857 : vector<1x256xi1>
      %convert_element_type3A_859 = arith.extui %and3A_858 : vector<1x256xi1> to vector<1x256xi32>
      %convert_element_type3A_860 = arith.sitofp %convert_element_type3A_859 : vector<1x256xi32> to vector<1x256xf32>
      %mul3A_861 = vector.broadcast %sub3A_847 : f32 to vector<1x256xf32>
      %mul3A_862 = arith.mulf %convert_element_type3A_860, %mul3A_861 : vector<1x256xf32>
      %max3A_863 = arith.maximumf %get3A_838, %mul3A_862 : vector<1x256xf32>
      %swap3A_864 = arith.constant 0 : index
      %swap3A_865 = arith.constant 1024 : index
      %swap3A_866 = vector.load %arg8[%swap3A_864, %swap3A_865] : memref<1x2048xf32, #tpu.memory_space<vmem>>, vector<1x256xf32>
      tpu.vector_store %arg8[%swap3A_864, %swap3A_865], %max3A_863 {strides = array<i32>} : memref<1x2048xf32, #tpu.memory_space<vmem>>, vector<1x256xf32>,
    }
    %scan3A_703 = arith.constant 256 : i32
    %get3A_704 = arith.constant 0 : index
    %get3A_705 = arith.constant 1024 : index
    %get3A_706 = vector.load %arg8[%get3A_704, %get3A_705] : memref<1x2048xf32, #tpu.memory_space<vmem>>, vector<1x256xf32>
    %eq3A_707 = arith.constant 0.000000e+00 : f32
    %eq3A_708 = vector.broadcast %eq3A_707 : f32 to vector<1x256xf32>
    %eq3A_709 = arith.cmpf oeq, %get3A_706, %eq3A_708 : vector<1x256xf32>
    %convert_element_type3A_710 = arith.extui %eq3A_709 : vector<1x256xi1> to vector<1x256xi32>
    %convert_element_type3A_711 = arith.sitofp %convert_element_type3A_710 : vector<1x256xi32> to vector<1x256xf32>
    %get3A_712 = arith.constant 1024 : index
    %get3A_713 = arith.constant 0 : index
    %get3A_714 = vector.load %arg7[%get3A_712, %get3A_713] : memref<2048x2048xf32, #tpu.memory_space<vmem>>, vector<256x2048xf32>
    %gt3A_715 = arith.constant 0.699999988 : f32
    %gt3A_716 = vector.broadcast %gt3A_715 : f32 to vector<256x2048xf32>
    %gt3A_717 = arith.cmpf ogt, %get3A_714, %gt3A_716 : vector<256x2048xf32>
    %convert_element_type3A_718 = arith.extui %gt3A_717 : vector<256x2048xi1> to vector<256x2048xi32>
    %convert_element_type3A_719 = arith.sitofp %convert_element_type3A_718 : vector<256x2048xi32> to vector<256x2048xf32>
    %dot_general3A_720 = arith.constant dense<0.000000e+00> : vector<1x2048xf32>
    %dot_general3A_721 = tpu.matmul %convert_element_type3A_711, %convert_element_type3A_719, %dot_general3A_720 {dimension_numbers = #tpu.dot_dimension_numbers<[1], [0], [0], [1], [0, 0, 1, 1], [], []>, transpose_lhs_hint = false} : vector<1x256xf32>, vector<256x2048xf32>, vector<1x2048xf32> -> vector<1x2048xf32>
    %gt3A_722 = arith.constant 0.000000e+00 : f32
    %gt3A_723 = vector.broadcast %gt3A_722 : f32 to vector<1x2048xf32>
    %gt3A_724 = arith.cmpf ogt, %dot_general3A_721, %gt3A_723 : vector<1x2048xf32>
    %ge3A_725 = arith.constant 1280 : i32
    %ge3A_726 = vector.broadcast %ge3A_725 : i32 to vector<1x2048xi32>
    %ge3A_727 = arith.cmpi sge, %iota3A, %ge3A_726 : vector<1x2048xi32>
    %and3A_728 = arith.andi %gt3A_724, %ge3A_727 : vector<1x2048xi1>
    %convert_element_type3A_729 = arith.extui %and3A_728 : vector<1x2048xi1> to vector<1x2048xi32>
    %convert_element_type3A_730 = arith.sitofp %convert_element_type3A_729 : vector<1x2048xi32> to vector<1x2048xf32>
    %get3A_731 = arith.constant 0 : index
    %get3A_732 = arith.constant 0 : index
    %get3A_733 = vector.load %arg8[%get3A_731, %get3A_732] : memref<1x2048xf32, #tpu.memory_space<vmem>>, vector<1x2048xf32>
    %max3A_734 = arith.maximumf %get3A_733, %convert_element_type3A_730 : vector<1x2048xf32>
    %swap3A_735 = arith.constant 0 : index
    %swap3A_736 = arith.constant 0 : index
    %swap3A_737 = vector.load %arg8[%swap3A_735, %swap3A_736] : memref<1x2048xf32, #tpu.memory_space<vmem>>, vector<1x2048xf32>
    tpu.vector_store %arg8[%swap3A_735, %swap3A_736], %max3A_734 {strides = array<i32>} : memref<1x2048xf32, #tpu.memory_space<vmem>>, vector<1x2048xf32>,
    %scan3A_738 = arith.constant 0 : i32
    %scan3A_739 = arith.constant 256 : i32
    %scan3A_740 = arith.addi %scan3A_738, %scan3A_739 : i32
    %scan3A_741 = arith.constant 1 : i32
    scf.for %scan3A_835 = %scan3A_738 to %scan3A_740 step %scan3A_741  : i32 {
      %get3A_836 = arith.constant 0 : index
      %get3A_837 = arith.constant 1280 : index
      %get3A_838 = vector.load %arg8[%get3A_836, %get3A_837] : memref<1x2048xf32, #tpu.memory_space<vmem>>, vector<1x256xf32>
      %eq3A_839 = vector.broadcast %scan3A_835 : i32 to vector<1x256xi32>
      %eq3A_840 = arith.cmpi eq, %iota3A_546, %eq3A_839 : vector<1x256xi32>
      %jit3A_841 = arith.constant 0.000000e+00 : f32
      %broadcast_in_dim3A = vector.broadcast %jit3A_841 : f32 to vector<1x256xf32>
      %select_n3A = arith.select %eq3A_840, %get3A_838, %broadcast_in_dim3A : vector<1x256xi1>, vector<1x256xf32>
      %reduce_max3A = vector.shape_cast %select_n3A : vector<1x256xf32> to vector<1x1x256xf32>
      %reduce_max3A_842 = arith.constant dense<0xFF800000> : vector<1xf32>
      %reduce_max3A_843 = vector.multi_reduction <maximumf>, %reduce_max3A, %reduce_max3A_842 [1, 2] : vector<1x1x256xf32> to vector<1xf32>
      %reduce_max3A_844 = vector.shape_cast %reduce_max3A_843 : vector<1xf32> to vector<1x1x1xf32>
      %reduce_max3A_845 = vector.extract %reduce_max3A_844[0, 0, 0] : f32 from vector<1x1x1xf32>
      %sub3A_846 = arith.constant 1.000000e+00 : f32
      %sub3A_847 = arith.subf %sub3A_846, %reduce_max3A_845 : f32
      %add3A_848 = arith.constant 1280 : i32
      %add3A_849 = arith.addi %add3A_848, %scan3A_835 : i32
      %get3A_850 = arith.index_cast %add3A_849 : i32 to index
      %get3A_851 = arith.constant 1280 : index
      %get3A_852 = vector.load %arg7[%get3A_850, %get3A_851] : memref<2048x2048xf32, #tpu.memory_space<vmem>>, vector<1x256xf32>
      %gt3A_853 = arith.constant 0.699999988 : f32
      %gt3A_854 = vector.broadcast %gt3A_853 : f32 to vector<1x256xf32>
      %gt3A_855 = arith.cmpf ogt, %get3A_852, %gt3A_854 : vector<1x256xf32>
      %gt3A_856 = vector.broadcast %scan3A_835 : i32 to vector<1x256xi32>
      %gt3A_857 = arith.cmpi sgt, %iota3A_546, %gt3A_856 : vector<1x256xi32>
      %and3A_858 = arith.andi %gt3A_855, %gt3A_857 : vector<1x256xi1>
      %convert_element_type3A_859 = arith.extui %and3A_858 : vector<1x256xi1> to vector<1x256xi32>
      %convert_element_type3A_860 = arith.sitofp %convert_element_type3A_859 : vector<1x256xi32> to vector<1x256xf32>
      %mul3A_861 = vector.broadcast %sub3A_847 : f32 to vector<1x256xf32>
      %mul3A_862 = arith.mulf %convert_element_type3A_860, %mul3A_861 : vector<1x256xf32>
      %max3A_863 = arith.maximumf %get3A_838, %mul3A_862 : vector<1x256xf32>
      %swap3A_864 = arith.constant 0 : index
      %swap3A_865 = arith.constant 1280 : index
      %swap3A_866 = vector.load %arg8[%swap3A_864, %swap3A_865] : memref<1x2048xf32, #tpu.memory_space<vmem>>, vector<1x256xf32>
      tpu.vector_store %arg8[%swap3A_864, %swap3A_865], %max3A_863 {strides = array<i32>} : memref<1x2048xf32, #tpu.memory_space<vmem>>, vector<1x256xf32>,
    }
    %scan3A_742 = arith.constant 256 : i32
    %get3A_743 = arith.constant 0 : index
    %get3A_744 = arith.constant 1280 : index
    %get3A_745 = vector.load %arg8[%get3A_743, %get3A_744] : memref<1x2048xf32, #tpu.memory_space<vmem>>, vector<1x256xf32>
    %eq3A_746 = arith.constant 0.000000e+00 : f32
    %eq3A_747 = vector.broadcast %eq3A_746 : f32 to vector<1x256xf32>
    %eq3A_748 = arith.cmpf oeq, %get3A_745, %eq3A_747 : vector<1x256xf32>
    %convert_element_type3A_749 = arith.extui %eq3A_748 : vector<1x256xi1> to vector<1x256xi32>
    %convert_element_type3A_750 = arith.sitofp %convert_element_type3A_749 : vector<1x256xi32> to vector<1x256xf32>
    %get3A_751 = arith.constant 1280 : index
    %get3A_752 = arith.constant 0 : index
    %get3A_753 = vector.load %arg7[%get3A_751, %get3A_752] : memref<2048x2048xf32, #tpu.memory_space<vmem>>, vector<256x2048xf32>
    %gt3A_754 = arith.constant 0.699999988 : f32
    %gt3A_755 = vector.broadcast %gt3A_754 : f32 to vector<256x2048xf32>
    %gt3A_756 = arith.cmpf ogt, %get3A_753, %gt3A_755 : vector<256x2048xf32>
    %convert_element_type3A_757 = arith.extui %gt3A_756 : vector<256x2048xi1> to vector<256x2048xi32>
    %convert_element_type3A_758 = arith.sitofp %convert_element_type3A_757 : vector<256x2048xi32> to vector<256x2048xf32>
    %dot_general3A_759 = arith.constant dense<0.000000e+00> : vector<1x2048xf32>
    %dot_general3A_760 = tpu.matmul %convert_element_type3A_750, %convert_element_type3A_758, %dot_general3A_759 {dimension_numbers = #tpu.dot_dimension_numbers<[1], [0], [0], [1], [0, 0, 1, 1], [], []>, transpose_lhs_hint = false} : vector<1x256xf32>, vector<256x2048xf32>, vector<1x2048xf32> -> vector<1x2048xf32>
    %gt3A_761 = arith.constant 0.000000e+00 : f32
    %gt3A_762 = vector.broadcast %gt3A_761 : f32 to vector<1x2048xf32>
    %gt3A_763 = arith.cmpf ogt, %dot_general3A_760, %gt3A_762 : vector<1x2048xf32>
    %ge3A_764 = arith.constant 1536 : i32
    %ge3A_765 = vector.broadcast %ge3A_764 : i32 to vector<1x2048xi32>
    %ge3A_766 = arith.cmpi sge, %iota3A, %ge3A_765 : vector<1x2048xi32>
    %and3A_767 = arith.andi %gt3A_763, %ge3A_766 : vector<1x2048xi1>
    %convert_element_type3A_768 = arith.extui %and3A_767 : vector<1x2048xi1> to vector<1x2048xi32>
    %convert_element_type3A_769 = arith.sitofp %convert_element_type3A_768 : vector<1x2048xi32> to vector<1x2048xf32>
    %get3A_770 = arith.constant 0 : index
    %get3A_771 = arith.constant 0 : index
    %get3A_772 = vector.load %arg8[%get3A_770, %get3A_771] : memref<1x2048xf32, #tpu.memory_space<vmem>>, vector<1x2048xf32>
    %max3A_773 = arith.maximumf %get3A_772, %convert_element_type3A_769 : vector<1x2048xf32>
    %swap3A_774 = arith.constant 0 : index
    %swap3A_775 = arith.constant 0 : index
    %swap3A_776 = vector.load %arg8[%swap3A_774, %swap3A_775] : memref<1x2048xf32, #tpu.memory_space<vmem>>, vector<1x2048xf32>
    tpu.vector_store %arg8[%swap3A_774, %swap3A_775], %max3A_773 {strides = array<i32>} : memref<1x2048xf32, #tpu.memory_space<vmem>>, vector<1x2048xf32>,
    %scan3A_777 = arith.constant 0 : i32
    %scan3A_778 = arith.constant 256 : i32
    %scan3A_779 = arith.addi %scan3A_777, %scan3A_778 : i32
    %scan3A_780 = arith.constant 1 : i32
    scf.for %scan3A_835 = %scan3A_777 to %scan3A_779 step %scan3A_780  : i32 {
      %get3A_836 = arith.constant 0 : index
      %get3A_837 = arith.constant 1536 : index
      %get3A_838 = vector.load %arg8[%get3A_836, %get3A_837] : memref<1x2048xf32, #tpu.memory_space<vmem>>, vector<1x256xf32>
      %eq3A_839 = vector.broadcast %scan3A_835 : i32 to vector<1x256xi32>
      %eq3A_840 = arith.cmpi eq, %iota3A_546, %eq3A_839 : vector<1x256xi32>
      %jit3A_841 = arith.constant 0.000000e+00 : f32
      %broadcast_in_dim3A = vector.broadcast %jit3A_841 : f32 to vector<1x256xf32>
      %select_n3A = arith.select %eq3A_840, %get3A_838, %broadcast_in_dim3A : vector<1x256xi1>, vector<1x256xf32>
      %reduce_max3A = vector.shape_cast %select_n3A : vector<1x256xf32> to vector<1x1x256xf32>
      %reduce_max3A_842 = arith.constant dense<0xFF800000> : vector<1xf32>
      %reduce_max3A_843 = vector.multi_reduction <maximumf>, %reduce_max3A, %reduce_max3A_842 [1, 2] : vector<1x1x256xf32> to vector<1xf32>
      %reduce_max3A_844 = vector.shape_cast %reduce_max3A_843 : vector<1xf32> to vector<1x1x1xf32>
      %reduce_max3A_845 = vector.extract %reduce_max3A_844[0, 0, 0] : f32 from vector<1x1x1xf32>
      %sub3A_846 = arith.constant 1.000000e+00 : f32
      %sub3A_847 = arith.subf %sub3A_846, %reduce_max3A_845 : f32
      %add3A_848 = arith.constant 1536 : i32
      %add3A_849 = arith.addi %add3A_848, %scan3A_835 : i32
      %get3A_850 = arith.index_cast %add3A_849 : i32 to index
      %get3A_851 = arith.constant 1536 : index
      %get3A_852 = vector.load %arg7[%get3A_850, %get3A_851] : memref<2048x2048xf32, #tpu.memory_space<vmem>>, vector<1x256xf32>
      %gt3A_853 = arith.constant 0.699999988 : f32
      %gt3A_854 = vector.broadcast %gt3A_853 : f32 to vector<1x256xf32>
      %gt3A_855 = arith.cmpf ogt, %get3A_852, %gt3A_854 : vector<1x256xf32>
      %gt3A_856 = vector.broadcast %scan3A_835 : i32 to vector<1x256xi32>
      %gt3A_857 = arith.cmpi sgt, %iota3A_546, %gt3A_856 : vector<1x256xi32>
      %and3A_858 = arith.andi %gt3A_855, %gt3A_857 : vector<1x256xi1>
      %convert_element_type3A_859 = arith.extui %and3A_858 : vector<1x256xi1> to vector<1x256xi32>
      %convert_element_type3A_860 = arith.sitofp %convert_element_type3A_859 : vector<1x256xi32> to vector<1x256xf32>
      %mul3A_861 = vector.broadcast %sub3A_847 : f32 to vector<1x256xf32>
      %mul3A_862 = arith.mulf %convert_element_type3A_860, %mul3A_861 : vector<1x256xf32>
      %max3A_863 = arith.maximumf %get3A_838, %mul3A_862 : vector<1x256xf32>
      %swap3A_864 = arith.constant 0 : index
      %swap3A_865 = arith.constant 1536 : index
      %swap3A_866 = vector.load %arg8[%swap3A_864, %swap3A_865] : memref<1x2048xf32, #tpu.memory_space<vmem>>, vector<1x256xf32>
      tpu.vector_store %arg8[%swap3A_864, %swap3A_865], %max3A_863 {strides = array<i32>} : memref<1x2048xf32, #tpu.memory_space<vmem>>, vector<1x256xf32>,
    }
    %scan3A_781 = arith.constant 256 : i32
    %get3A_782 = arith.constant 0 : index
    %get3A_783 = arith.constant 1536 : index
    %get3A_784 = vector.load %arg8[%get3A_782, %get3A_783] : memref<1x2048xf32, #tpu.memory_space<vmem>>, vector<1x256xf32>
    %eq3A_785 = arith.constant 0.000000e+00 : f32
    %eq3A_786 = vector.broadcast %eq3A_785 : f32 to vector<1x256xf32>
    %eq3A_787 = arith.cmpf oeq, %get3A_784, %eq3A_786 : vector<1x256xf32>
    %convert_element_type3A_788 = arith.extui %eq3A_787 : vector<1x256xi1> to vector<1x256xi32>
    %convert_element_type3A_789 = arith.sitofp %convert_element_type3A_788 : vector<1x256xi32> to vector<1x256xf32>
    %get3A_790 = arith.constant 1536 : index
    %get3A_791 = arith.constant 0 : index
    %get3A_792 = vector.load %arg7[%get3A_790, %get3A_791] : memref<2048x2048xf32, #tpu.memory_space<vmem>>, vector<256x2048xf32>
    %gt3A_793 = arith.constant 0.699999988 : f32
    %gt3A_794 = vector.broadcast %gt3A_793 : f32 to vector<256x2048xf32>
    %gt3A_795 = arith.cmpf ogt, %get3A_792, %gt3A_794 : vector<256x2048xf32>
    %convert_element_type3A_796 = arith.extui %gt3A_795 : vector<256x2048xi1> to vector<256x2048xi32>
    %convert_element_type3A_797 = arith.sitofp %convert_element_type3A_796 : vector<256x2048xi32> to vector<256x2048xf32>
    %dot_general3A_798 = arith.constant dense<0.000000e+00> : vector<1x2048xf32>
    %dot_general3A_799 = tpu.matmul %convert_element_type3A_789, %convert_element_type3A_797, %dot_general3A_798 {dimension_numbers = #tpu.dot_dimension_numbers<[1], [0], [0], [1], [0, 0, 1, 1], [], []>, transpose_lhs_hint = false} : vector<1x256xf32>, vector<256x2048xf32>, vector<1x2048xf32> -> vector<1x2048xf32>
    %gt3A_800 = arith.constant 0.000000e+00 : f32
    %gt3A_801 = vector.broadcast %gt3A_800 : f32 to vector<1x2048xf32>
    %gt3A_802 = arith.cmpf ogt, %dot_general3A_799, %gt3A_801 : vector<1x2048xf32>
    %ge3A_803 = arith.constant 1792 : i32
    %ge3A_804 = vector.broadcast %ge3A_803 : i32 to vector<1x2048xi32>
    %ge3A_805 = arith.cmpi sge, %iota3A, %ge3A_804 : vector<1x2048xi32>
    %and3A_806 = arith.andi %gt3A_802, %ge3A_805 : vector<1x2048xi1>
    %convert_element_type3A_807 = arith.extui %and3A_806 : vector<1x2048xi1> to vector<1x2048xi32>
    %convert_element_type3A_808 = arith.sitofp %convert_element_type3A_807 : vector<1x2048xi32> to vector<1x2048xf32>
    %get3A_809 = arith.constant 0 : index
    %get3A_810 = arith.constant 0 : index
    %get3A_811 = vector.load %arg8[%get3A_809, %get3A_810] : memref<1x2048xf32, #tpu.memory_space<vmem>>, vector<1x2048xf32>
    %max3A_812 = arith.maximumf %get3A_811, %convert_element_type3A_808 : vector<1x2048xf32>
    %swap3A_813 = arith.constant 0 : index
    %swap3A_814 = arith.constant 0 : index
    %swap3A_815 = vector.load %arg8[%swap3A_813, %swap3A_814] : memref<1x2048xf32, #tpu.memory_space<vmem>>, vector<1x2048xf32>
    tpu.vector_store %arg8[%swap3A_813, %swap3A_814], %max3A_812 {strides = array<i32>} : memref<1x2048xf32, #tpu.memory_space<vmem>>, vector<1x2048xf32>,
    %scan3A_816 = arith.constant 0 : i32
    %scan3A_817 = arith.constant 256 : i32
    %scan3A_818 = arith.addi %scan3A_816, %scan3A_817 : i32
    %scan3A_819 = arith.constant 1 : i32
    scf.for %scan3A_835 = %scan3A_816 to %scan3A_818 step %scan3A_819  : i32 {
      %get3A_836 = arith.constant 0 : index
      %get3A_837 = arith.constant 1792 : index
      %get3A_838 = vector.load %arg8[%get3A_836, %get3A_837] : memref<1x2048xf32, #tpu.memory_space<vmem>>, vector<1x256xf32>
      %eq3A_839 = vector.broadcast %scan3A_835 : i32 to vector<1x256xi32>
      %eq3A_840 = arith.cmpi eq, %iota3A_546, %eq3A_839 : vector<1x256xi32>
      %jit3A_841 = arith.constant 0.000000e+00 : f32
      %broadcast_in_dim3A = vector.broadcast %jit3A_841 : f32 to vector<1x256xf32>
      %select_n3A = arith.select %eq3A_840, %get3A_838, %broadcast_in_dim3A : vector<1x256xi1>, vector<1x256xf32>
      %reduce_max3A = vector.shape_cast %select_n3A : vector<1x256xf32> to vector<1x1x256xf32>
      %reduce_max3A_842 = arith.constant dense<0xFF800000> : vector<1xf32>
      %reduce_max3A_843 = vector.multi_reduction <maximumf>, %reduce_max3A, %reduce_max3A_842 [1, 2] : vector<1x1x256xf32> to vector<1xf32>
      %reduce_max3A_844 = vector.shape_cast %reduce_max3A_843 : vector<1xf32> to vector<1x1x1xf32>
      %reduce_max3A_845 = vector.extract %reduce_max3A_844[0, 0, 0] : f32 from vector<1x1x1xf32>
      %sub3A_846 = arith.constant 1.000000e+00 : f32
      %sub3A_847 = arith.subf %sub3A_846, %reduce_max3A_845 : f32
      %add3A_848 = arith.constant 1792 : i32
      %add3A_849 = arith.addi %add3A_848, %scan3A_835 : i32
      %get3A_850 = arith.index_cast %add3A_849 : i32 to index
      %get3A_851 = arith.constant 1792 : index
      %get3A_852 = vector.load %arg7[%get3A_850, %get3A_851] : memref<2048x2048xf32, #tpu.memory_space<vmem>>, vector<1x256xf32>
      %gt3A_853 = arith.constant 0.699999988 : f32
      %gt3A_854 = vector.broadcast %gt3A_853 : f32 to vector<1x256xf32>
      %gt3A_855 = arith.cmpf ogt, %get3A_852, %gt3A_854 : vector<1x256xf32>
      %gt3A_856 = vector.broadcast %scan3A_835 : i32 to vector<1x256xi32>
      %gt3A_857 = arith.cmpi sgt, %iota3A_546, %gt3A_856 : vector<1x256xi32>
      %and3A_858 = arith.andi %gt3A_855, %gt3A_857 : vector<1x256xi1>
      %convert_element_type3A_859 = arith.extui %and3A_858 : vector<1x256xi1> to vector<1x256xi32>
      %convert_element_type3A_860 = arith.sitofp %convert_element_type3A_859 : vector<1x256xi32> to vector<1x256xf32>
      %mul3A_861 = vector.broadcast %sub3A_847 : f32 to vector<1x256xf32>
      %mul3A_862 = arith.mulf %convert_element_type3A_860, %mul3A_861 : vector<1x256xf32>
      %max3A_863 = arith.maximumf %get3A_838, %mul3A_862 : vector<1x256xf32>
      %swap3A_864 = arith.constant 0 : index
      %swap3A_865 = arith.constant 1792 : index
      %swap3A_866 = vector.load %arg8[%swap3A_864, %swap3A_865] : memref<1x2048xf32, #tpu.memory_space<vmem>>, vector<1x256xf32>
      tpu.vector_store %arg8[%swap3A_864, %swap3A_865], %max3A_863 {strides = array<i32>} : memref<1x2048xf32, #tpu.memory_space<vmem>>, vector<1x256xf32>,
    }
    %scan3A_820 = arith.constant 256 : i32
    %get3A_821 = arith.constant 0 : index
    %get3A_822 = arith.constant 0 : index
    %get3A_823 = vector.load %arg8[%get3A_821, %get3A_822] : memref<1x2048xf32, #tpu.memory_space<vmem>>, vector<1x2048xf32>
    %eq3A_824 = arith.constant 0.000000e+00 : f32
    %eq3A_825 = vector.broadcast %eq3A_824 : f32 to vector<1x2048xf32>
    %eq3A_826 = arith.cmpf oeq, %get3A_823, %eq3A_825 : vector<1x2048xf32>
    %convert_element_type3A_827 = arith.extui %eq3A_826 : vector<1x2048xi1> to vector<1x2048xi32>
    %convert_element_type3A_828 = arith.sitofp %convert_element_type3A_827 : vector<1x2048xi32> to vector<1x2048xf32>
    %swap3A_829 = arith.constant 0 : index
    %swap3A_830 = arith.constant 0 : index
    %swap3A_831 = arith.constant 0 : index
    %swap3A_832 = vector.load %arg6[%swap3A_829, %swap3A_830, %swap3A_831] : memref<1x1x2048xf32, #tpu.memory_space<vmem>>, vector<1x1x2048xf32>
    %swap3A_833 = vector.shape_cast %swap3A_832 : vector<1x1x2048xf32> to vector<1x2048xf32>
    %swap3A_834 = vector.shape_cast %convert_element_type3A_828 : vector<1x2048xf32> to vector<1x1x2048xf32>
    tpu.vector_store %arg6[%swap3A_829, %swap3A_830, %swap3A_831], %swap3A_834 {strides = array<i32>} : memref<1x1x2048xf32, #tpu.memory_space<vmem>>, vector<1x1x2048xf32>,
    return
  }
  func.func @transform_0(%arg0: i32) -> (i32, i32, i32) {
    %c0_i32 = arith.constant 0 : i32
    %c0_i32_0 = arith.constant 0 : i32
    %c0_i32_1 = arith.constant 0 : i32
    return %arg0, %c0_i32, %c0_i32_0 : i32, i32, i32
  }
  func.func @transform_1(%arg0: i32) -> (i32, i32, i32) {
    %c0_i32 = arith.constant 0 : i32
    %c0_i32_0 = arith.constant 0 : i32
    %c0_i32_1 = arith.constant 0 : i32
    return %arg0, %c0_i32, %c0_i32_0 : i32, i32, i32
  }
  func.func @transform_2(%arg0: i32) -> (i32, i32, i32) {
    %c0_i32 = arith.constant 0 : i32
    %c0_i32_0 = arith.constant 0 : i32
    %c0_i32_1 = arith.constant 0 : i32
    return %arg0, %c0_i32, %c0_i32_0 : i32, i32, i32
  }
  func.func @transform_3(%arg0: i32) -> (i32, i32, i32) {
    %c0_i32 = arith.constant 0 : i32
    %c0_i32_0 = arith.constant 0 : i32
    %c0_i32_1 = arith.constant 0 : i32
    return %arg0, %c0_i32, %c0_i32_0 : i32, i32, i32
  }
  func.func @transform_4(%arg0: i32) -> (i32, i32, i32) {
    %c0_i32 = arith.constant 0 : i32
    %c0_i32_0 = arith.constant 0 : i32
    %c0_i32_1 = arith.constant 0 : i32
    return %arg0, %c0_i32, %c0_i32_0 : i32, i32, i32
  }
  func.func @transform_5(%arg0: i32) -> (i32, i32, i32) {
    %c0_i32 = arith.constant 0 : i32
    %c0_i32_0 = arith.constant 0 : i32
    %c0_i32_1 = arith.constant 0 : i32
    return %arg0, %c0_i32, %c0_i32_0 : i32, i32, i32
  }
}

</mosaic_0001>

<sc_bundles>
// kernel: gather_offload_async_start.1
scs
__scs_entry_jumppad:
0x0: {  	(pc) =	sbr.rel $0x88, $3  }
0x1: {  	(tag) =	ssettag $0x0;
	lr =	simm.s32 $0x1  }
0x2: {  	[smem:$0x3F9A] =	sst lr;
	_ =	strace $0xD0000000  }
0x3: {  	_ = 	snop  }
0x4: {  	_ = 	snop  }
0x5: {  	_ = 	snop  }
0x6: {  	_ = 	snop  }
0x7: {  	_ = 	snop  }
__scs_overlays_trampoline_lowered:
0x8: {  	[smem:$0x3FA9] =	sst s0  }
0x9: {  	[smem:$0x3FAA] =	sst s1  }
0xa: {  	[smem:$0x3FAB] =	sst s2  }
0xb: {  	[smem:$0x3FAC] =	sst s3  }
0xc: {  	[smem:$0x3FAD] =	sst s4  }
0xd: {  	[smem:$0x3FAE] =	sst s5  }
0xe: {  	[smem:$0x3FAF] =	sst s6  }
0xf: {  	[smem:$0x3FB0] =	sst s7  }
0x10: {  	[smem:$0x3FB1] =	sst s8  }
0x11: {  	[smem:$0x3FB2] =	sst s9;
	s0 =	simm.s32 @!p0 $0x0  }
0x12: {  	s1 =	sld [smem:$0x3F98];
	s0 =	simm.s32 @p0 $0x1  }
0x13: {  	[smem:$0x3FB3] =	sst s0;
	s0 =	simm.s32 @!p1 $0x0  }
0x14: {  	s2 =	sld [smem:$0x3F97];
	s0 =	simm.s32 @p1 $0x1  }
0x15: {  	[smem:$0x3FB4] =	sst s0;
	s0 =	simm.s32 @!p2 $0x0  }
0x16: {  	s3 =	sld [smem:$0x3FDB];
	s0 =	simm.s32 @p2 $0x1  }
0x17: {  	s4 =	simm.s32 $0x1BF5;
	[smem:$0x3FB6] =	sst s0  }
0x18: {  	s0 =	sld [smem:$0x3F99];
	_ =	swait.ge [sflag:s4], $0x0  }
0x19: {  	s7 =	sld [smem:$0x3F9A]  }
0x1a: {  	s8 =	sadd.s32 $0xFFFFE003, lr  }
0x1b: {  	s9 =	sadd.s32 $0xFFFFFEF7, lr;
	s5 =	simm.s32 $0xFFFFFFFF;
	p2 =	slt.u32 s8, $0xFFFFF086  }
0x1c: {  	p1 =	slt.u32 s9, $0xF7A;
	s5 =	simm.s32 @!p2 $0x0  }
0x1d: {  	s5 =	simm.s32 @p1 $0x1;
	p0 =	seq.s32 s7, s2  }
0x1e: {  	s7 =	smul.u32 @!p0 $0xF7A, s2;
	p2 =	seq.s32 @!p0 s5, $0x0  }
0x1f: {  	s9 =	smul.u32 $0xF7A, s1;
	s8 =	simm.s32 @!p0 $0x1BF5;
	p2 =	por !p2, p0  }
0x20: {  	[sflag:s8] =	ssyncset.s32 @!p0 $0xFFFFF086;
	s6 =	sadd.s32 @!p0 s3, s7;
	s7 =	simm.s32 @!p0 $0x108  }
0x21: {  	s3 =	sadd.s32 s3, s9;
	s6 =	sadd.s32 @!p0 $0x88, s6;
	s7 =	simm.s32 @p2 $0x1082  }
0x22: {  	[simem:s7], [sflag:s8] =	dma.local @!p0 [hbm:s6], $0xF7A  }
0x23: {  	s9 =	sor.u32 $0xD0000000, s2;
	s6 =	simm.s32 $0x108;
	_ =	swait.ge @!p0 [sflag:s8], $0x0  }
0x24: {  	s3 =	sadd.s32 $0x88, s3;
	s6 =	simm.s32 @!p1 $0x1082;
	[sflag:s4] =	ssyncset.s32 $0xFFFFF086  }
0x25: {  	[simem:s6], [sflag:s4] =	dma.local [hbm:s3], $0xF7A  }
0x26: {  	[smem:$0x3F9A] =	sst s1;
	(tag) =	ssettag s2;
	_ =	strace s9  }
0x27: {  	s1 =	sld [smem:$0x3FAA]  }
0x28: {  	s2 =	sld [smem:$0x3FAB]  }
0x29: {  	s4 =	sld [smem:$0x3FAD]  }
0x2a: {  	p0 =	seq.s32 s5, $0x0;
	s5 =	sld [smem:$0x3FAE]  }
0x2b: {  	s6 =	sld [smem:$0x3FAF]  }
0x2c: {  	s7 =	sld [smem:$0x3FB0]  }
0x2d: {  	s3 =	simm.s32 $0x108;
	s8 =	sld [smem:$0x3FB1]  }
0x2e: {  	s3 =	simm.s32 @!p0 $0x1082;
	s9 =	sld [smem:$0x3FB2]  }
0x2f: {  	lr =	sadd.s32 s0, s3;
	s0 =	sld [smem:$0x3FA9]  }
0x30: {  	s3 =	sld [smem:$0x3FAC]  }
0x31: {  	[smem:$0x3FB5] =	sst s10  }
0x32: {  	s10 =	sld [smem:$0x3FB3];
	_ =	sdelay $0x3  }
0x33: {  	p0 =	seq.s32 s10, $0x1;
	s10 =	sld [smem:$0x3FB5];
	_ =	sdelay $0x3  }
0x34: {  	[smem:$0x3FB5] =	sst s10  }
0x35: {  	s10 =	sld [smem:$0x3FB4];
	_ =	sdelay $0x3  }
0x36: {  	p1 =	seq.s32 s10, $0x1;
	s10 =	sld [smem:$0x3FB5];
	_ =	sdelay $0x3  }
0x37: {  	[smem:$0x3FB5] =	sst s10  }
0x38: {  	s10 =	sld [smem:$0x3FB6]  }
0x39: {  	_ = 	snop;
	(pc) =	sbr.ind lr, $3  }
0x3a: {  	_ = 	snop  }
0x3b: {  	_ = 	snop  }
0x3c: {  	p2 =	seq.s32 s10, $0x1;
	s10 =	sld [smem:$0x3FB5]  }
0x3d: {  	_ =	shalt  }
0x3e: {  	_ =	shalt  }
0x3f: {  	_ =	shalt  }
0x40: {  	_ =	shalt  }
0x41: {  	_ =	shalt  }
0x42: {  	_ =	shalt  }
0x43: {  	_ =	shalt  }
0x44: {  	_ =	shalt  }
0x45: {  	_ =	shalt  }
0x46: {  	_ =	shalt  }
0x47: {  	_ =	shalt  }
0x48: {  	_ =	shalt  }
0x49: {  	_ =	shalt  }
0x4a: {  	_ =	shalt  }
0x4b: {  	_ =	shalt  }
0x4c: {  	_ =	shalt  }
0x4d: {  	_ =	shalt  }
0x4e: {  	_ =	shalt  }
0x4f: {  	_ =	shalt  }
0x50: {  	_ =	shalt  }
0x51: {  	_ =	shalt  }
0x52: {  	_ =	shalt  }
0x53: {  	_ =	shalt  }
0x54: {  	_ =	shalt  }
0x55: {  	_ =	shalt  }
0x56: {  	_ =	shalt  }
0x57: {  	_ =	shalt  }
0x58: {  	_ =	shalt  }
0x59: {  	_ =	shalt  }
0x5a: {  	_ =	shalt  }
0x5b: {  	_ =	shalt  }
0x5c: {  	_ =	shalt  }
0x5d: {  	_ =	shalt  }
0x5e: {  	_ =	shalt  }
0x5f: {  	_ =	shalt  }
0x60: {  	_ =	shalt  }
0x61: {  	_ =	shalt  }
0x62: {  	_ =	shalt  }
0x63: {  	_ =	shalt  }
0x64: {  	_ =	shalt  }
0x65: {  	_ =	shalt  }
0x66: {  	_ =	shalt  }
0x67: {  	_ =	shalt  }
0x68: {  	_ =	shalt  }
0x69: {  	_ =	shalt  }
0x6a: {  	_ =	shalt  }
0x6b: {  	_ =	shalt  }
0x6c: {  	_ =	shalt  }
0x6d: {  	_ =	shalt  }
0x6e: {  	_ =	shalt  }
0x6f: {  	_ =	shalt  }
0x70: {  	_ =	shalt  }
0x71: {  	_ =	shalt  }
0x72: {  	_ =	shalt  }
0x73: {  	_ =	shalt  }
0x74: {  	_ =	shalt  }
0x75: {  	_ =	shalt  }
0x76: {  	_ =	shalt  }
0x77: {  	_ =	shalt  }
0x78: {  	_ =	shalt  }
0x79: {  	_ =	shalt  }
0x7a: {  	_ =	shalt  }
0x7b: {  	_ =	shalt  }
0x7c: {  	_ =	shalt  }
0x7d: {  	_ =	shalt  }
0x7e: {  	_ =	shalt  }
0x7f: {  	_ =	shalt  }
0x80: {  	_ =	shalt  }
0x81: {  	_ =	shalt  }
0x82: {  	_ =	shalt  }
0x83: {  	_ =	shalt  }
0x84: {  	_ =	shalt  }
0x85: {  	_ =	shalt  }
0x86: {  	_ =	shalt  }
0x87: {  	_ =	shalt  }
.Lfunc_end0:
.L_simem_size_0:
called_computation.1_lowered:
.L_overlay_start_0:
0x88: {  	s2 =	sld [smem:$0x3FD9]  }
0x89: {  	s3 =	sld [smem:$0x3FFE];
	_ =	sdelay $0x1  }
0x8a: {  	s1 =	srdreg.scid  }
0x8b: {  	s0 =	sand.u32 $0x1, s1  }
0x8c: {  	s17 =	sshll.u32 s0, $0xA;
	s2 =	sadd.s32 s3, s2  }
0x8d: {  	s2 =	sadd.s32 s2, s17  }
0x8e: {  	[smem:$0x3FC1] =	sst s2  }
0x8f: {  	_ = 	snop  }
0x90: {  	s2 =	sld [smem:$0x3FD0];
	(tm) =	ssettm $0x1  }
0x91: {  	s18 =	sld [smem:$0x3FFB];
	_ =	sdelay $0x3  }
0x92: {  	_ =	strace s18  }
0x93: {  	s3 =	sld [smem:$0x3FFC];
	_ =	sdelay $0x3  }
0x94: {  	_ =	strace s3  }
0x95: {  	s3 =	sld [smem:$0x3FFD];
	_ =	sdelay $0x3  }
0x96: {  	_ =	strace s3  }
0x97: {  	_ =	strace $0x8FFFFFFF  }
0x98: {  	s19 =	sld [smem:$0x3FDB];
	_ =	sdelay $0x1  }
0x99: {  	s4 =	simm.s32 $_scs_section_size  }
0x9a: {  	s5 =	simm.s32 $_size__tile_overlayer_lowered;
	s6 =	simm.s32 $_tile_overlayer_lowered  }
0x9b: {  	s22 =	simm.s32 $0x1BFF;
	s21 =	sshll.u32 s6, $0x1;
	s3 =	sadd.s32 s4, s19  }
0x9c: {  	s7 =	simm.s32 $0x0;
	s20 =	sshll.u32 s5, $0x1;
	s5 =	sadd.s32 s21, s3  }
0x9d: {  	[timem:s7], [sflag:s22] =	dma.local [hbm:s5], s20  }
0x9e: {  	_ =	swait.ge [sflag:s22], s20  }
0x9f: {  	s4 =	ssub.s32 $0x0, s20;
	[sflag:s22] =	ssyncset.done $0x0  }
0xa0: {  	[sflag:s22] =	ssyncadd.s32 s4;
	_ =	sdelay $0x1  }
0xa1: {  	s23 =	simm.s32 $0x1B8B  }
0xa2: {  	_ =	swait.ge [sflag:s23], $0x1  }
0xa3: {  	[sflag:s23] =	ssyncset.done $0x0  }
0xa4: {  	s25 =	simm.s32 $0x1B8E;
	s24 =	sld [smem:$0x3FFE];
	[sflag:s23] =	ssyncadd.s32 $0xFFFFFFFF  }
0xa5: {  	s26 =	simm.s32 $execute0_lowered;
	[smem:$0x3FD2] =	sst s25  }
0xa6: {  	s5 =	sshll.u32 s26, $0x1;
	_ =	strace $0x80000046;
	[dreg:$0x1] =	wrdreg $0xFFFFFFFF  }
0xa7: {  	s28 =	simm.s32 $_size_execute0_lowered;
	s3 =	sadd.s32 s3, s5;
	[dreg:$0x0] =	wrdreg $0x0  }
0xa8: {  	s5 =	sshll.u32 s28, $0x1;
	[dreg:$0x2] =	wrdreg s3  }
0xa9: {  	[dreg:$0x3] =	wrdreg s5  }
0xaa: {  	[dreg:$0x4] =	wrdreg $0xC0  }
0xab: {  	_ =	task [dreg:s7], $0x5FFFF  }
0xac: {  	[dreg:$0x1] =	wrdreg $0xFFFFFFFF  }
0xad: {  	[dreg:$0x0] =	wrdreg $0x60  }
0xae: {  	[dreg:$0x2] =	wrdreg s24  }
0xaf: {  	[dreg:$0x3] =	wrdreg s2  }
0xb0: {  	[dreg:$0x4] =	wrdreg $0x9  }
0xb1: {  	_ =	task.clear_ibuf [dreg:s7], $0x5FFFF;
	_ =	strace $0x90000046  }
0xb2: {  	s29 =	simm.s32 $0x9;
	_ =	strace $0x80000048  }
0xb3: {  	_ =	swait.ge [sflag:s29], $0x1  }
0xb4: {  	[sflag:s29] =	ssyncadd.s32 $0xFFFFFFFF  }
0xb5: {  	_ =	strace $0x90000048  }
0xb6: {  	_ =	sfence  }
0xb7: {  	s30 =	sld [smem:$0x0];
	_ =	sdelay $0x2  }
0xb8: {  	s31 =	sshll.u32 s1, $0xD;
	s1 =	sshrl.u32 s1, $0x2  }
0xb9: {  	s3 =	sand.u32 $0x4000, s31;
	s1 =	sadd.s32 s1, s30  }
0xba: {  	s0 =	sor.u32 s3, s0;
	s1 =	sshll.u32 s1, $0x11  }
0xbb: {  	s0 =	sor.u32 s1, s0  }
0xbc: {  	s0 =	sadd.s32 $0x8F2B, s0  }
0xbd: {  	[sflag:s0] =	ssyncadd.remote.s32 $0x1  }
0xbe: {  	_ =	sfence.sel $0xFFFF  }
0xbf: {  	[dreg:$0x0] =	wrdreg $0xFFFFFFFF;
	(pc) =	sbr.abs _section_cstart, $3  }
0xc0: {  	[dreg:$0x1] =	wrdreg $0xFFFFFFFF  }
0xc1: {  	_ =	task.clear_ibuf [dreg:s7], $0x2FFFF;
	_ =	strace $0x9FFFFFFF  }
0xc2: {  	(tm) =	ssettm $0x7FFFFFFF  }
0xc3: {  	_ =	shalt  }
tec
execute0_lowered:
.L_overlay_start_1:
0x0: {  	(tag) =	ssettag $0x1  }
0x1: {  	s7 =	rddreg [dreg:$0x0]  }
0x2: {  	s0 =	srdreg.scid;
	s2 =	rddreg [dreg:$0x1]  }
0x3: {  	s1 =	stileid.u32;
	s6 =	simm.s32 $0x2;
	s11 =	simm.s32 $0x3  }
0x4: {  	s12 =	simm.s32 $0x0;
	s3 =	sshll.u32 s0, $0x7;
	s0 =	rddreg [dreg:$0x2]  }
0x5: {  	s4 =	sshll.u32 s1, $0x8;
	_ =	strace $0x80000047;
	s5 =	sand.u32 $0x80, s3  }
0x6: {  	s3 =	sadd.s32 $0x200E00, s7;
	s4 =	sor.u32 s4, s5;
	s5 =	simm.s32 $0x1  }
0x7: {  	s8 =	sshrl.u32 s4, $0x3;
	s9 =	ssub.s32 $0x1000, s4;
	[sflag:s5] =	ssyncpa.u1 $0x0  }
.Ltmp0:
0x8: {  	s10 =	sand.u32 $0xF80, s9;
	[sflag:s6] =	ssyncpa.u1 $0x0;
	(pc) =	sbr.rel .LBB2_1-.Ltmp0, $4  }
0x9: {  	s9 =	sshrl.u32 s9, $0xC;
	p0 =	sne.s32 s10, $0x0;
	s10 =	simm.s32 $0x1  }
0xa: {  	s8 =	sadd.s32 s8, s7;
	[sflag:s11] =	ssyncpa.u1 $0x0;
	s10 =	simm.s32 @!p0 $0x0  }
0xb: {  	s8 =	sadd.s32 $0xC00, s8;
	s11 =	simm.s32 $0x0;
	s7 =	sadd.s32 s10, s9  }
0xc: {  	vm0 =	vmmov $0xffff;
	v0 =	vimm.s32 $0x0;
	v1 =	vlaneseq.u32;
	p0 =	por $0x0, $0x0;
	s10 =	simm.s32 $0x0;
	s9 =	sadd.s32 $0x1, s7  }
.LBB2_4:
0xd: {  	_ =	sdelay $0x3  }
0xe: {  	[tilespmem:s20], [sflag:$0x1] =	stream.indirect_vreg.gather [hbm4b:s3+s10], $0x1, v2, vm0, $0x4038;
	[tilespmem:$0x500] =	vst v63  }
0xf: {  	s14 =	sadd.s32 s16, s14  }
0x10: {  	v2 =	vld.msk [tilespmem:s14+$0x0 ss:$0x1], $0xffff;
	_ =	sdelay $0x4  }
0x11: {  	v3 =	vshrl.u32 v2, $0x1  }
0x12: {  	v4 =	vand.u32 $0x1, v2;
	vm1 =	veq.s32 v2, $0x80000000;
	v2 =	vand.u32 $0x3FFFF, v3  }
0x13: {  	p1 =	sgt.s32 s17, $0x0;
	vm2 =	veq.s32 v4, $0x1;
	v2 =	vsel vm1, $0xFFFFFFFF, v2  }
0x14: {  	s17 =	simm.s32 @!p1 $0x0;
	v3 =	vsel vm2, $0xF0000, v0;
	v61 =	vshll.u32 v2, $0x2  }
0x15: {  	s26 =	smin.u32 s17, $0x10;
	v3 =	vsel vm1, $0xFFF10000, v3;
	v4 =	vand.u32 $0xFFFFFE00, v61  }
0x16: {  	v62 =	vmov s26;
	v2 =	vand.u32 $0x7F, v2;
	v3 =	vadd.s32 v3, v4  }
0x17: {  	vm1 =	vgt.u32 v62, v1;
	v2 =	vor.u32 v2, v3  }
0x18: {  	v3 =	vnsel vm1, $0x7FFFFFFF, v2;
	_ =	sdelay $0x1  }
0x19: {  	v63 =	vor.u32 $0x80, v2  }
0x1a: {  	(ifvalue) =	ssetifvalue $0x7FFFFFFF;
	v4 =	vnsel vm1, $0x7FFFFFFF, v63  }
0x1b: {  	s28 =	sadd.s32 s16, s15;
	(ifvalue) =	ssetifvalue $0x7FFFFFFF  }
0x1c: {  	v5 =	vor.u32 $0x100, v2;
	[tilespmem:s28], [sflag:$0x1] =	stream.indirect_vreg.gather [hbm4b:s3+s10], $0x1, v3, vm0, $0x4038;
	[tilespmem:$0x500] =	vst v63  }
0x1d: {  	(ifvalue) =	ssetifvalue $0x7FFFFFFF;
	v3 =	vnsel vm1, $0x7FFFFFFF, v5  }
0x1e: {  	s15 =	sadd.s32 $0x80, s28;
	(ifvalue) =	ssetifvalue $0x7FFFFFFF  }
0x1f: {  	v2 =	vor.u32 $0x180, v2;
	[tilespmem:s15], [sflag:$0x1] =	stream.indirect_vreg.gather [hbm4b:s3+s10], $0x1, v4, vm0, $0x4038;
	[tilespmem:$0x500] =	vst v63  }
0x20: {  	v2 =	vnsel vm1, $0x7FFFFFFF, v2;
	(ifvalue) =	ssetifvalue $0x7FFFFFFF  }
0x21: {  	s29 =	sadd.s32 $0x100, s28;
	(ifvalue) =	ssetifvalue $0x7FFFFFFF  }
0x22: {  	[tilespmem:s29], [sflag:$0x1] =	stream.indirect_vreg.gather [hbm4b:s3+s10], $0x1, v3, vm0, $0x4038;
	[tilespmem:$0x500] =	vst v63  }
0x23: {  	(ifvalue) =	ssetifvalue $0x7FFFFFFF  }
0x24: {  	s30 =	sshll.u32 s12, $0x2;
	s14 =	sadd.s32 $0x180, s28;
	(ifvalue) =	ssetifvalue $0x7FFFFFFF  }
0x25: {  	[tilespmem:s14], [sflag:$0x1] =	stream.indirect_vreg.gather [hbm4b:s3+s10], $0x1, v2, vm0, $0x4038;
	[tilespmem:$0x500] =	vst v63  }
0x26: {  	s31 =	sand.u32 $0x78, s12;
	s14 =	sand.u32 $0x7FFFFE00, s30  }
0x27: {  	_ =	swait.ge [sflag:s5], $0x200;
	s12 =	sor.u32 s31, s14  }
0x28: {  	[sflag:s5] =	ssyncset.done $0x0;
	s12 =	sshrl.u32 s12, $0x3  }
0x29: {  	[sflag:s5] =	ssyncadd.s32 $0xFFFFFE00;
	s12 =	sadd.s32 s2, s12  }
0x2a: {  	[hbm:s12] =	stream.linear.scatter [tilespmem:s13], [sflag:$0x3], $0x200, $0x38;
	[tilespmem:$0x500] =	vst v63  }
.LBB2_5:
0x2b: {  	p2 =	sne.s32 s11, s9  }
.Ltmp1:
0x2c: {  	p1 =	slt.u32 s11, $0x2;
	(pc) =	sbr.rel @!p2 .LBB2_6-.Ltmp1, $4  }
0x2d: {  	s12 =	simm.s32 @!p1 $0x3  }
0x2e: {  	_ =	swait.ge @!p1 [sflag:s12], $0x200  }
0x2f: {  	s13 =	sadd.s32 $0x1, s11;
	p0 =	por !p0, !p0;
	[sflag:s12] =	ssyncset.done @!p1 $0x0  }
0x30: {  	s11 =	smov.u32 s13;
	[sflag:s12] =	ssyncadd.s32 @!p1 $0xFFFFFE00;
	s12 =	smov.u32 s4  }
.LBB2_1:
0x31: {  	p1 =	sge.u32 s11, s7  }
0x32: {  	s13 =	sxor.u32 @!p1 $0xFFFFFFFF, s11  }
0x33: {  	s13 =	sshll.u32 @!p1 s13, $0x7  }
0x34: {  	s31 =	sadd.s32 $0xFFFFFFFF, s11;
	s14 =	simm.s32 @!p1 $0x0;
	s13 =	sand.u32 @!p1 $0x80, s13  }
0x35: {  	[tilespmem:s13], [sflag:$0x2] =	stream.linear.gather @!p1 [hbm4b:s8+s14], $0x80, $0x38;
	[tilespmem:$0x500] =	vst v63  }
0x36: {  	p1 =	sge.u32 s31, s7  }
.Ltmp2:
0x37: {  	_ = 	snop;
	(pc) =	sbr.rel @p1 .LBB2_5-.Ltmp2, $1  }
0x38: {  	_ =	sdelay $0x3  }
0x39: {  	s13 =	simm.s32 $0x1  }
0x3a: {  	_ =	swait.ge [sflag:s6], $0x80;
	s13 =	simm.s32 @!p0 $0x0  }
0x3b: {  	[sflag:s6] =	ssyncset.done $0x0;
	s14 =	sshll.u32 s13, $0x7  }
0x3c: {  	[sflag:s6] =	ssyncadd.s32 $0xFFFFFF80;
	s15 =	sadd.s32 $0x0, s14  }
0x3d: {  	v2 =	vld.msk [tilespmem:s15+$0x0 ss:$0x1], $0xffff;
	_ =	sdelay $0x3  }
0x3e: {  	s17 =	ssub.s32 $0xFA0, s12  }
0x3f: {  	p1 =	slt.s32 s17, $0x80;
	v3 =	vshrl.u32 v2, $0x1  }
0x40: {  	s17 =	simm.s32 @!p1 $0x80;
	v4 =	vand.u32 $0x1, v2;
	vm1 =	veq.s32 v2, $0x80000000;
	v2 =	vand.u32 $0x3FFFF, v3  }
0x41: {  	p1 =	sgt.s32 s17, $0x0;
	s15 =	smov.u32 s17;
	vm2 =	veq.s32 v4, $0x1;
	v2 =	vsel vm1, $0xFFFFFFFF, v2  }
0x42: {  	s15 =	simm.s32 @!p1 $0x0;
	v3 =	vsel vm2, $0xF0000, v0;
	v61 =	vshll.u32 v2, $0x2  }
0x43: {  	s15 =	smin.u32 s15, $0x10;
	v3 =	vsel vm1, $0xFFF10000, v3;
	v4 =	vand.u32 $0xFFFFFE00, v61  }
0x44: {  	v62 =	vmov s15;
	v2 =	vand.u32 $0x7F, v2;
	v3 =	vadd.s32 v3, v4  }
0x45: {  	vm1 =	vgt.u32 v62, v1;
	v2 =	vor.u32 v2, v3  }
0x46: {  	v3 =	vnsel vm1, $0x7FFFFFFF, v2;
	_ =	sdelay $0x1  }
0x47: {  	s13 =	sshll.u32 s13, $0x9;
	v63 =	vor.u32 $0x80, v2  }
0x48: {  	(ifvalue) =	ssetifvalue $0x7FFFFFFF;
	s15 =	sor.u32 $0x100, s13;
	v4 =	vnsel vm1, $0x7FFFFFFF, v63  }
0x49: {  	(ifvalue) =	ssetifvalue $0x7FFFFFFF;
	s18 =	sadd.s32 $0x0, s15  }
0x4a: {  	v5 =	vor.u32 $0x100, v2;
	[tilespmem:s18], [sflag:$0x1] =	stream.indirect_vreg.gather [hbm4b:s3+s10], $0x1, v3, vm0, $0x4038;
	[tilespmem:$0x500] =	vst v63  }
0x4b: {  	(ifvalue) =	ssetifvalue $0x7FFFFFFF;
	v3 =	vnsel vm1, $0x7FFFFFFF, v5  }
0x4c: {  	s16 =	sadd.s32 $0x80, s18;
	(ifvalue) =	ssetifvalue $0x7FFFFFFF  }
0x4d: {  	v2 =	vor.u32 $0x180, v2;
	[tilespmem:s16], [sflag:$0x1] =	stream.indirect_vreg.gather [hbm4b:s3+s10], $0x1, v4, vm0, $0x4038;
	[tilespmem:$0x500] =	vst v63  }
0x4e: {  	s30 =	sshll.u32 s11, $0x9;
	s19 =	simm.s32 $0x80;
	v2 =	vnsel vm1, $0x7FFFFFFF, v2;
	(ifvalue) =	ssetifvalue $0x7FFFFFFF  }
0x4f: {  	s13 =	sand.u32 $0x200, s30;
	s31 =	sadd.s32 $0x100, s18;
	(ifvalue) =	ssetifvalue $0x7FFFFFFF  }
0x50: {  	[tilespmem:s31], [sflag:$0x1] =	stream.indirect_vreg.gather [hbm4b:s3+s10], $0x1, v3, vm0, $0x4038;
	[tilespmem:$0x500] =	vst v63  }
0x51: {  	s17 =	sadd.s32 $0xFFFFFFF0, s17;
	s13 =	sor.u32 $0x100, s13;
	(ifvalue) =	ssetifvalue $0x7FFFFFFF  }
0x52: {  	s20 =	sadd.s32 $0x180, s18;
	s16 =	simm.s32 $0x10;
	(ifvalue) =	ssetifvalue $0x7FFFFFFF  }
.LBB2_3:
0x53: {  	[tilespmem:s20], [sflag:$0x1] =	stream.indirect_vreg.gather [hbm4b:s3+s10], $0x1, v2, vm0, $0x4038;
	[tilespmem:$0x500] =	vst v63  }
0x54: {  	s18 =	smov.u32 s19  }
0x55: {  	s21 =	sadd.s32 s16, s14;
	s20 =	sshra.s32 s18, $0x2;
	s18 =	sadd.s32 $0x40, s19  }
0x56: {  	p1 =	sne.s32 s19, $0x1C0;
	v2 =	vld.msk [tilespmem:s21+$0x0 ss:$0x1], $0xffff  }
0x57: {  	(ifvalue) =	ssetifvalue $0x7FFFFFFF;
	_ =	sdelay $0x4  }
0x58: {  	v3 =	vshrl.u32 v2, $0x1;
	v4 =	vand.u32 $0x1, v2  }
0x59: {  	vm1 =	veq.s32 v2, $0x80000000;
	v2 =	vand.u32 $0x3FFFF, v3;
	vm2 =	veq.s32 v4, $0x1  }
0x5a: {  	p2 =	sgt.s32 s17, $0x0;
	s19 =	smov.u32 s17;
	v2 =	vsel vm1, $0xFFFFFFFF, v2;
	v3 =	vsel vm2, $0xF0000, v0  }
0x5b: {  	s19 =	simm.s32 @!p2 $0x0;
	v3 =	vsel vm1, $0xFFF10000, v3;
	v4 =	vshll.u32 v2, $0x2  }
0x5c: {  	s19 =	smin.u32 s19, $0x10;
	v4 =	vand.u32 $0xFFFFFE00, v4  }
0x5d: {  	v2 =	vand.u32 $0x7F, v2;
	v3 =	vadd.s32 v3, v4;
	v4 =	vmov s19  }
0x5e: {  	v2 =	vor.u32 v2, v3;
	vm1 =	vgt.u32 v4, v1  }
0x5f: {  	v3 =	vnsel vm1, $0x7FFFFFFF, v2;
	v4 =	vor.u32 $0x80, v2;
	v5 =	vor.u32 $0x100, v2  }
0x60: {  	v2 =	vor.u32 $0x180, v2;
	_ =	sdelay $0x1  }
0x61: {  	v4 =	vnsel vm1, $0x7FFFFFFF, v4  }
0x62: {  	s19 =	sadd.s32 s16, s15;
	s16 =	smov.u32 s20;
	(ifvalue) =	ssetifvalue $0x7FFFFFFF  }
0x63: {  	[tilespmem:s19], [sflag:$0x1] =	stream.indirect_vreg.gather [hbm4b:s3+s10], $0x1, v3, vm0, $0x4038;
	[tilespmem:$0x500] =	vst v63  }
0x64: {  	v3 =	vnsel vm1, $0x7FFFFFFF, v5;
	(ifvalue) =	ssetifvalue $0x7FFFFFFF  }
0x65: {  	s20 =	sadd.s32 $0x80, s19;
	(ifvalue) =	ssetifvalue $0x7FFFFFFF  }
0x66: {  	[tilespmem:s20], [sflag:$0x1] =	stream.indirect_vreg.gather [hbm4b:s3+s10], $0x1, v4, vm0, $0x4038;
	[tilespmem:$0x500] =	vst v63  }
.Ltmp3:
0x67: {  	v2 =	vnsel vm1, $0x7FFFFFFF, v2;
	(ifvalue) =	ssetifvalue $0x7FFFFFFF;
	(pc) =	sbr.rel @p1 .LBB2_3-.Ltmp3, $4  }
0x68: {  	s20 =	sadd.s32 $0x100, s19;
	(ifvalue) =	ssetifvalue $0x7FFFFFFF  }
0x69: {  	[tilespmem:s20], [sflag:$0x1] =	stream.indirect_vreg.gather [hbm4b:s3+s10], $0x1, v3, vm0, $0x4038;
	[tilespmem:$0x500] =	vst v63  }
0x6a: {  	s17 =	sadd.s32 $0xFFFFFFF0, s17;
	(ifvalue) =	ssetifvalue $0x7FFFFFFF  }
0x6b: {  	s20 =	sadd.s32 $0x180, s19;
	s19 =	smov.u32 s18;
	(ifvalue) =	ssetifvalue $0x7FFFFFFF  }
.Ltmp4:
0x6c: {  	_ = 	snop;
	(pc) =	sbr.rel .LBB2_4-.Ltmp4, $1  }
0x6d: {  	_ =	sdelay $0x3  }
.LBB2_6:
0x6e: {  	_ =	sfence.sel $0x180000  }
0x6f: {  	s2 =	simm.s32 $0x2;
	[bflag:$0x0] =	sbarrier.arrive $0xFFFF  }
0x70: {  	s30 =	simm.s32 $0x3;
	[sflag:s2] =	ssyncpa.u1 $0x1  }
0x71: {  	s31 =	simm.s32 $0x1;
	[sflag:s30] =	ssyncpa.u1 $0x1  }
0x72: {  	[sflag:s31] =	ssyncpa.u1 $0x1  }
0x73: {  	p0 =	sne.s32 s1, $0x0;
	_ =	strace $0x90000047  }
0x74: {  	s0 =	sadd.s32 @!p0 $0x100000, s0;
	[bflag:$0x2] =	sbarrier.arrive $0xFFFF  }
0x75: {  	[sflag:s0] =	ssyncadd.tile.s32 @!p0 $0x1;
	_ =	shalt  }
.Lfunc_end2:
_tile_overlayer_lowered:
.L_overlay_start_2:
0x76: {  	(tag) =	ssettag $0x2  }
0x77: {  	s0 =	rddreg [dreg:$0x0];
	s2 =	stileid.u32  }
0x78: {  	s1 =	rddreg [dreg:$0x1];
	p0 =	sne.s32 s2, $0x0  }
0x79: {  	s3 =	rddreg [dreg:$0x2];
	[bflag:$0x3] =	sbarrier.arrive $0xFFFF;
	s2 =	simm.s32 @!p0 $0x1C01  }
0x7a: {  	[timem:s3], [sflag:s2] =	dma.local @!p0 [hbm:s0], s1  }
0x7b: {  	s0 =	simm.s32 @!p0 $0x1  }
0x7c: {  	_ =	swait.ge @!p0 [sflag:s0], s1  }
0x7d: {  	s1 =	ssub.s32 @!p0 $0x0, s1;
	[sflag:s0] =	ssyncset.done @!p0 $0x0  }
0x7e: {  	[sflag:s0] =	ssyncadd.s32 @!p0 s1  }
0x7f: {  	[bflag:$0x3] =	sbarrier.arrive $0xFFFF  }
0x80: {  	_ =	shalt  }

// kernel: gather_offload_async_start.2
scs
__scs_entry_jumppad:
0x0: {  	(pc) =	sbr.rel $0x88, $3  }
0x1: {  	(tag) =	ssettag $0x0;
	lr =	simm.s32 $0x1  }
0x2: {  	[smem:$0x3F9A] =	sst lr;
	_ =	strace $0xD0000000  }
0x3: {  	_ = 	snop  }
0x4: {  	_ = 	snop  }
0x5: {  	_ = 	snop  }
0x6: {  	_ = 	snop  }
0x7: {  	_ = 	snop  }
__scs_overlays_trampoline_lowered:
0x8: {  	[smem:$0x3FA9] =	sst s0  }
0x9: {  	[smem:$0x3FAA] =	sst s1  }
0xa: {  	[smem:$0x3FAB] =	sst s2  }
0xb: {  	[smem:$0x3FAC] =	sst s3  }
0xc: {  	[smem:$0x3FAD] =	sst s4  }
0xd: {  	[smem:$0x3FAE] =	sst s5  }
0xe: {  	[smem:$0x3FAF] =	sst s6  }
0xf: {  	[smem:$0x3FB0] =	sst s7  }
0x10: {  	[smem:$0x3FB1] =	sst s8  }
0x11: {  	[smem:$0x3FB2] =	sst s9;
	s0 =	simm.s32 @!p0 $0x0  }
0x12: {  	s1 =	sld [smem:$0x3F98];
	s0 =	simm.s32 @p0 $0x1  }
0x13: {  	[smem:$0x3FB3] =	sst s0;
	s0 =	simm.s32 @!p1 $0x0  }
0x14: {  	s2 =	sld [smem:$0x3F97];
	s0 =	simm.s32 @p1 $0x1  }
0x15: {  	[smem:$0x3FB4] =	sst s0;
	s0 =	simm.s32 @!p2 $0x0  }
0x16: {  	s3 =	sld [smem:$0x3FDB];
	s0 =	simm.s32 @p2 $0x1  }
0x17: {  	s4 =	simm.s32 $0x1BF5;
	[smem:$0x3FB6] =	sst s0  }
0x18: {  	s0 =	sld [smem:$0x3F99];
	_ =	swait.ge [sflag:s4], $0x0  }
0x19: {  	s7 =	sld [smem:$0x3F9A]  }
0x1a: {  	s8 =	sadd.s32 $0xFFFFE003, lr  }
0x1b: {  	s9 =	sadd.s32 $0xFFFFFEF7, lr;
	s5 =	simm.s32 $0xFFFFFFFF;
	p2 =	slt.u32 s8, $0xFFFFF086  }
0x1c: {  	p1 =	slt.u32 s9, $0xF7A;
	s5 =	simm.s32 @!p2 $0x0  }
0x1d: {  	s5 =	simm.s32 @p1 $0x1;
	p0 =	seq.s32 s7, s2  }
0x1e: {  	s7 =	smul.u32 @!p0 $0xF7A, s2;
	p2 =	seq.s32 @!p0 s5, $0x0  }
0x1f: {  	s9 =	smul.u32 $0xF7A, s1;
	s8 =	simm.s32 @!p0 $0x1BF5;
	p2 =	por !p2, p0  }
0x20: {  	[sflag:s8] =	ssyncset.s32 @!p0 $0xFFFFF086;
	s6 =	sadd.s32 @!p0 s3, s7;
	s7 =	simm.s32 @!p0 $0x108  }
0x21: {  	s3 =	sadd.s32 s3, s9;
	s6 =	sadd.s32 @!p0 $0x88, s6;
	s7 =	simm.s32 @p2 $0x1082  }
0x22: {  	[simem:s7], [sflag:s8] =	dma.local @!p0 [hbm:s6], $0xF7A  }
0x23: {  	s9 =	sor.u32 $0xD0000000, s2;
	s6 =	simm.s32 $0x108;
	_ =	swait.ge @!p0 [sflag:s8], $0x0  }
0x24: {  	s3 =	sadd.s32 $0x88, s3;
	s6 =	simm.s32 @!p1 $0x1082;
	[sflag:s4] =	ssyncset.s32 $0xFFFFF086  }
0x25: {  	[simem:s6], [sflag:s4] =	dma.local [hbm:s3], $0xF7A  }
0x26: {  	[smem:$0x3F9A] =	sst s1;
	(tag) =	ssettag s2;
	_ =	strace s9  }
0x27: {  	s1 =	sld [smem:$0x3FAA]  }
0x28: {  	s2 =	sld [smem:$0x3FAB]  }
0x29: {  	s4 =	sld [smem:$0x3FAD]  }
0x2a: {  	p0 =	seq.s32 s5, $0x0;
	s5 =	sld [smem:$0x3FAE]  }
0x2b: {  	s6 =	sld [smem:$0x3FAF]  }
0x2c: {  	s7 =	sld [smem:$0x3FB0]  }
0x2d: {  	s3 =	simm.s32 $0x108;
	s8 =	sld [smem:$0x3FB1]  }
0x2e: {  	s3 =	simm.s32 @!p0 $0x1082;
	s9 =	sld [smem:$0x3FB2]  }
0x2f: {  	lr =	sadd.s32 s0, s3;
	s0 =	sld [smem:$0x3FA9]  }
0x30: {  	s3 =	sld [smem:$0x3FAC]  }
0x31: {  	[smem:$0x3FB5] =	sst s10  }
0x32: {  	s10 =	sld [smem:$0x3FB3];
	_ =	sdelay $0x3  }
0x33: {  	p0 =	seq.s32 s10, $0x1;
	s10 =	sld [smem:$0x3FB5];
	_ =	sdelay $0x3  }
0x34: {  	[smem:$0x3FB5] =	sst s10  }
0x35: {  	s10 =	sld [smem:$0x3FB4];
	_ =	sdelay $0x3  }
0x36: {  	p1 =	seq.s32 s10, $0x1;
	s10 =	sld [smem:$0x3FB5];
	_ =	sdelay $0x3  }
0x37: {  	[smem:$0x3FB5] =	sst s10  }
0x38: {  	s10 =	sld [smem:$0x3FB6]  }
0x39: {  	_ = 	snop;
	(pc) =	sbr.ind lr, $3  }
0x3a: {  	_ = 	snop  }
0x3b: {  	_ = 	snop  }
0x3c: {  	p2 =	seq.s32 s10, $0x1;
	s10 =	sld [smem:$0x3FB5]  }
0x3d: {  	_ =	shalt  }
0x3e: {  	_ =	shalt  }
0x3f: {  	_ =	shalt  }
0x40: {  	_ =	shalt  }
0x41: {  	_ =	shalt  }
0x42: {  	_ =	shalt  }
0x43: {  	_ =	shalt  }
0x44: {  	_ =	shalt  }
0x45: {  	_ =	shalt  }
0x46: {  	_ =	shalt  }
0x47: {  	_ =	shalt  }
0x48: {  	_ =	shalt  }
0x49: {  	_ =	shalt  }
0x4a: {  	_ =	shalt  }
0x4b: {  	_ =	shalt  }
0x4c: {  	_ =	shalt  }
0x4d: {  	_ =	shalt  }
0x4e: {  	_ =	shalt  }
0x4f: {  	_ =	shalt  }
0x50: {  	_ =	shalt  }
0x51: {  	_ =	shalt  }
0x52: {  	_ =	shalt  }
0x53: {  	_ =	shalt  }
0x54: {  	_ =	shalt  }
0x55: {  	_ =	shalt  }
0x56: {  	_ =	shalt  }
0x57: {  	_ =	shalt  }
0x58: {  	_ =	shalt  }
0x59: {  	_ =	shalt  }
0x5a: {  	_ =	shalt  }
0x5b: {  	_ =	shalt  }
0x5c: {  	_ =	shalt  }
0x5d: {  	_ =	shalt  }
0x5e: {  	_ =	shalt  }
0x5f: {  	_ =	shalt  }
0x60: {  	_ =	shalt  }
0x61: {  	_ =	shalt  }
0x62: {  	_ =	shalt  }
0x63: {  	_ =	shalt  }
0x64: {  	_ =	shalt  }
0x65: {  	_ =	shalt  }
0x66: {  	_ =	shalt  }
0x67: {  	_ =	shalt  }
0x68: {  	_ =	shalt  }
0x69: {  	_ =	shalt  }
0x6a: {  	_ =	shalt  }
0x6b: {  	_ =	shalt  }
0x6c: {  	_ =	shalt  }
0x6d: {  	_ =	shalt  }
0x6e: {  	_ =	shalt  }
0x6f: {  	_ =	shalt  }
0x70: {  	_ =	shalt  }
0x71: {  	_ =	shalt  }
0x72: {  	_ =	shalt  }
0x73: {  	_ =	shalt  }
0x74: {  	_ =	shalt  }
0x75: {  	_ =	shalt  }
0x76: {  	_ =	shalt  }
0x77: {  	_ =	shalt  }
0x78: {  	_ =	shalt  }
0x79: {  	_ =	shalt  }
0x7a: {  	_ =	shalt  }
0x7b: {  	_ =	shalt  }
0x7c: {  	_ =	shalt  }
0x7d: {  	_ =	shalt  }
0x7e: {  	_ =	shalt  }
0x7f: {  	_ =	shalt  }
0x80: {  	_ =	shalt  }
0x81: {  	_ =	shalt  }
0x82: {  	_ =	shalt  }
0x83: {  	_ =	shalt  }
0x84: {  	_ =	shalt  }
0x85: {  	_ =	shalt  }
0x86: {  	_ =	shalt  }
0x87: {  	_ =	shalt  }
.Lfunc_end0:
.L_simem_size_0:
called_computation.2_lowered:
.L_overlay_start_0:
0x88: {  	s0 =	sld [smem:$0x3FD9]  }
0x89: {  	s1 =	sld [smem:$0x3FFE];
	_ =	sdelay $0x3  }
0x8a: {  	s0 =	sadd.s32 s1, s0  }
0x8b: {  	[smem:$0x3FC1] =	sst s0  }
0x8c: {  	_ = 	snop  }
0x8d: {  	s0 =	sld [smem:$0x3FD0];
	(tm) =	ssettm $0x1  }
0x8e: {  	s16 =	sld [smem:$0x3FFB];
	_ =	sdelay $0x3  }
0x8f: {  	_ =	strace s16  }
0x90: {  	s1 =	sld [smem:$0x3FFC];
	_ =	sdelay $0x3  }
0x91: {  	_ =	strace s1  }
0x92: {  	s1 =	sld [smem:$0x3FFD];
	_ =	sdelay $0x3  }
0x93: {  	_ =	strace s1  }
0x94: {  	_ =	strace $0x8FFFFFFF  }
0x95: {  	s17 =	sld [smem:$0x3FDB];
	_ =	sdelay $0x1  }
0x96: {  	s2 =	simm.s32 $_scs_section_size  }
0x97: {  	s3 =	simm.s32 $_size__tile_overlayer_lowered;
	s4 =	simm.s32 $_tile_overlayer_lowered  }
0x98: {  	s20 =	simm.s32 $0x1BFF;
	s19 =	sshll.u32 s4, $0x1;
	s1 =	sadd.s32 s2, s17  }
0x99: {  	s5 =	simm.s32 $0x0;
	s18 =	sshll.u32 s3, $0x1;
	s3 =	sadd.s32 s19, s1  }
0x9a: {  	[timem:s5], [sflag:s20] =	dma.local [hbm:s3], s18  }
0x9b: {  	_ =	swait.ge [sflag:s20], s18  }
0x9c: {  	s2 =	ssub.s32 $0x0, s18;
	[sflag:s20] =	ssyncset.done $0x0  }
0x9d: {  	[sflag:s20] =	ssyncadd.s32 s2;
	_ =	sdelay $0x1  }
0x9e: {  	s21 =	simm.s32 $0x1B8B  }
0x9f: {  	_ =	swait.ge [sflag:s21], $0x1  }
0xa0: {  	[sflag:s21] =	ssyncset.done $0x0  }
0xa1: {  	s23 =	simm.s32 $0x1B8E;
	s22 =	sld [smem:$0x3FFE];
	[sflag:s21] =	ssyncadd.s32 $0xFFFFFFFF  }
0xa2: {  	s24 =	simm.s32 $execute0_lowered;
	[smem:$0x3FD2] =	sst s23  }
0xa3: {  	s3 =	sshll.u32 s24, $0x1;
	_ =	strace $0x8000004C;
	[dreg:$0x1] =	wrdreg $0xFFFFFFFF  }
0xa4: {  	s25 =	simm.s32 $_size_execute0_lowered;
	s1 =	sadd.s32 s1, s3;
	[dreg:$0x0] =	wrdreg $0x0  }
0xa5: {  	s3 =	sshll.u32 s25, $0x1;
	[dreg:$0x2] =	wrdreg s1  }
0xa6: {  	[dreg:$0x3] =	wrdreg s3  }
0xa7: {  	[dreg:$0x4] =	wrdreg $0xC0  }
0xa8: {  	_ =	task [dreg:s5], $0x5FFFF  }
0xa9: {  	[dreg:$0x1] =	wrdreg $0xFFFFFFFF  }
0xaa: {  	[dreg:$0x0] =	wrdreg $0x60  }
0xab: {  	[dreg:$0x2] =	wrdreg s22  }
0xac: {  	[dreg:$0x3] =	wrdreg s0  }
0xad: {  	[dreg:$0x4] =	wrdreg $0x9  }
0xae: {  	_ =	task.clear_ibuf [dreg:s5], $0x5FFFF;
	_ =	strace $0x9000004C  }
0xaf: {  	s26 =	simm.s32 $0x9;
	_ =	strace $0x8000004E  }
0xb0: {  	_ =	swait.ge [sflag:s26], $0x1  }
0xb1: {  	[sflag:s26] =	ssyncadd.s32 $0xFFFFFFFF  }
0xb2: {  	_ =	strace $0x9000004E  }
0xb3: {  	_ =	sfence  }
0xb4: {  	s28 =	sld [smem:$0x0];
	_ =	sdelay $0x1  }
0xb5: {  	s29 =	srdreg.scid  }
0xb6: {  	s30 =	sshll.u32 s29, $0xD;
	s31 =	sshrl.u32 s29, $0x2  }
0xb7: {  	s2 =	sand.u32 $0x4000, s30;
	s1 =	sand.u32 $0x1, s29;
	s0 =	sadd.s32 s31, s28  }
0xb8: {  	s1 =	sor.u32 s2, s1;
	s0 =	sshll.u32 s0, $0x11  }
0xb9: {  	s0 =	sor.u32 s0, s1  }
0xba: {  	s0 =	sadd.s32 $0x8F2B, s0  }
0xbb: {  	[sflag:s0] =	ssyncadd.remote.s32 $0x1  }
0xbc: {  	_ =	sfence.sel $0xFFFF  }
0xbd: {  	[dreg:$0x0] =	wrdreg $0xFFFFFFFF;
	(pc) =	sbr.abs _section_cstart, $3  }
0xbe: {  	[dreg:$0x1] =	wrdreg $0xFFFFFFFF  }
0xbf: {  	_ =	task.clear_ibuf [dreg:s5], $0x2FFFF;
	_ =	strace $0x9FFFFFFF  }
0xc0: {  	(tm) =	ssettm $0x7FFFFFFF  }
0xc1: {  	_ =	shalt  }
tec
execute0_lowered:
.L_overlay_start_1:
0x0: {  	(tag) =	ssettag $0x1  }
0x1: {  	s0 =	stileid.u32  }
0x2: {  	s3 =	simm.s32 $0x200;
	s7 =	rddreg [dreg:$0x0];
	s10 =	simm.s32 $0x1  }
0x3: {  	s6 =	simm.s32 $0x2;
	s1 =	smin.u32 s0, $0x8;
	p0 =	slt.u32 s0, $0x8  }
0x4: {  	s11 =	simm.s32 $0x4;
	s2 =	sshll.u32 s1, $0x9;
	s3 =	simm.s32 @!p0 $0x0  }
0x5: {  	s12 =	simm.s32 $0xFFFFF800;
	s13 =	simm.s32 $0xFFFFFE00;
	s1 =	sadd.s32 s3, s2  }
0x6: {  	s14 =	simm.s32 $0xFFFFFFFF;
	s18 =	simm.s32 $0x0;
	s4 =	smin.u32 s1, $0xFA0  }
0x7: {  	s15 =	simm.s32 $0x0;
	s17 =	simm.s32 $0x0;
	s9 =	ssub.s32 s4, s2  }
0x8: {  	s5 =	sadd.s32 $0x800, s7;
	s3 =	rddreg [dreg:$0x1];
	p0 =	sgt.s32 s9, $0x0  }
0x9: {  	s1 =	rddreg [dreg:$0x2];
	_ =	strace $0x8000004D;
	s9 =	simm.s32 @!p0 $0x0  }
.Ltmp0:
0xa: {  	[sflag:s10] =	ssyncpa.u1 $0x0;
	s8 =	sand.u32 $0x1A0, s9;
	(pc) =	sbr.rel .LBB2_1-.Ltmp0, $4  }
0xb: {  	s7 =	sadd.s32 $0x10400, s7;
	[sflag:s6] =	ssyncpa.u1 $0x0;
	p0 =	sne.s32 s8, $0x0  }
0xc: {  	s9 =	sshrl.u32 s9, $0x9;
	s8 =	simm.s32 $0x3;
	s10 =	simm.s32 @!p0 $0x0  }
0xd: {  	s16 =	smov.u32 s2;
	[sflag:s8] =	ssyncpa.u1 $0x0;
	s9 =	sadd.s32 s10, s9  }
0xe: {  	v0 =	vlaneseq.u32;
	vm0 =	vmmov $0xffff;
	[sflag:s11] =	ssyncpa.u1 $0x0;
	s11 =	simm.s32 $0x0;
	s10 =	sadd.s32 $0x2, s9  }
.LBB2_7:
0xf: {  	p0 =	slt.u32 s17, $0x3  }
0x10: {  	s18 =	simm.s32 @!p0 $0x4  }
0x11: {  	_ =	swait.ge @!p0 [sflag:s18], $0x80  }
0x12: {  	s19 =	sadd.s32 $0x200, s16;
	[sflag:s18] =	ssyncset.done @!p0 $0x0  }
0x13: {  	s20 =	smov.u32 s2;
	[sflag:s18] =	ssyncadd.s32 @!p0 $0xFFFFFF80;
	p0 =	slt.s32 s19, s4  }
0x14: {  	s20 =	smov.u32 @p0 s19;
	p0 =	sne.s32 s17, s10  }
.Ltmp1:
0x15: {  	_ = 	snop;
	(pc) =	sbr.rel @!p0 .LBB2_8-.Ltmp1, $4  }
0x16: {  	_ = 	snop  }
0x17: {  	s31 =	sadd.s32 $0x1, s17;
	s12 =	sadd.s32 $0x800, s12  }
0x18: {  	s13 =	sadd.s32 $0x200, s13;
	s14 =	sadd.s32 $0x1, s14;
	s18 =	smov.u32 s15  }
0x19: {  	s15 =	smov.u32 s16;
	s17 =	smov.u32 s31;
	s16 =	smov.u32 s20  }
.LBB2_1:
0x1a: {  	p0 =	sge.u32 s17, s9  }
0x1b: {  	s19 =	smulhi.u32 @!p0 $0xAAAAAAAB, s17;
	_ =	sdelay $0x1  }
0x1c: {  	s19 =	sshrl.u32 @!p0 s19, $0x1  }
0x1d: {  	s19 =	smul.u32 @!p0 $0x3, s19;
	_ =	sdelay $0x1  }
0x1e: {  	s31 =	sadd.s32 $0xFFFFFFFF, s17;
	s20 =	sshrl.u32 @!p0 s16, $0x3;
	s19 =	ssub.s32 @!p0 s17, s19  }
0x1f: {  	s21 =	sand.u32 @!p0 $0x7, s16;
	s20 =	sadd.s32 @!p0 s3, s20;
	s19 =	sshll.u32 @!p0 s19, $0x9  }
0x20: {  	[tilespmem:s19], [sflag:$0x2] =	stream.linear.gather @!p0 [hbm4b:s20+s21], $0x200, $0x38;
	[tilespmem:$0xB00] =	vst v63  }
0x21: {  	p0 =	sge.u32 s31, s9  }
.Ltmp2:
0x22: {  	_ = 	snop;
	(pc) =	sbr.rel @p0 .LBB2_5-.Ltmp2, $1  }
0x23: {  	_ =	sdelay $0x3  }
0x24: {  	s19 =	smulhi.u32 $0xAAAAAAAB, s14;
	_ =	sdelay $0x1  }
0x25: {  	s19 =	sshrl.u32 s19, $0x1  }
0x26: {  	s19 =	smul.u32 $0xFFFFE800, s19  }
0x27: {  	_ =	swait.ge [sflag:s6], $0x200;
	s20 =	ssub.s32 $0xFA0, s15  }
0x28: {  	[sflag:s6] =	ssyncset.done $0x0;
	p0 =	slt.s32 s20, $0x200;
	s19 =	sshra.s32 s19, $0x2  }
0x29: {  	[sflag:s6] =	ssyncadd.s32 $0xFFFFFE00;
	s20 =	simm.s32 @!p0 $0x200;
	s21 =	sadd.s32 s19, s13  }
0x2a: {  	(ifvalue) =	ssetifvalue $0x7FFFFFFF;
	p0 =	sgt.s32 s20, $0x0;
	s19 =	sadd.s32 $0xFFFFFFF0, s20;
	v1 =	vld.msk [tilespmem:s21+$0x0 ss:$0x1], $0xffff  }
0x2b: {  	s20 =	simm.s32 @!p0 $0x0;
	p0 =	sgt.s32 s19, $0x0  }
0x2c: {  	s22 =	sadd.s32 $0xFFFFFFF0, s19;
	s20 =	smin.u32 s20, $0x10;
	s19 =	simm.s32 @!p0 $0x0  }
0x2d: {  	v2 =	vmov s20;
	s19 =	smin.u32 s19, $0x10  }
0x2e: {  	s24 =	sadd.s32 $0x10, s21;
	vm1 =	vgt.u32 v2, v0;
	v2 =	vmov s19  }
0x2f: {  	v3 =	vld.msk [tilespmem:s24+$0x0 ss:$0x1], $0xffff;
	vm1 =	vmmov vm1;
	vm2 =	vgt.u32 v2, v0;
	v2 =	vshll.u32 v1, $0x1  }
0x30: {  	p0 =	sgt.s32 s22, $0x0;
	s19 =	smov.u32 s22;
	v4 =	vand.u32 $0x1, v1;
	vm3 =	veq.s32 v1, $0x80000000;
	v1 =	vand.u32 $0x1FFC, v2  }
0x31: {  	s19 =	simm.s32 @!p0 $0x0;
	vm1 =	vmmov vm1;
	v2 =	vsel vm3, $0xFFFFFFFF, v4;
	v1 =	vsel vm3, $0xFFFFFFFC, v1  }
0x32: {  	s19 =	smin.u32 s19, $0x10;
	vm2 =	vmmov vm2;
	v4 =	vand.u32 $0xFFFFE000, v2;
	v5 =	vand.u32 $0xFFFFFE00, v1  }
0x33: {  	s25 =	sadd.s32 $0xFFFFFFF0, s22;
	v6 =	vmov s19;
	v1 =	vand.u32 $0x1FC, v1;
	v4 =	vadd.s32 v4, v5  }
0x34: {  	s23 =	smov.u32 s25;
	p0 =	sgt.s32 s25, $0x0;
	vm4 =	veq.s32 v3, $0x80000000;
	v2 =	vand.u32 $0x3, v2;
	v1 =	vor.u32 v1, v4  }
0x35: {  	s23 =	simm.s32 @!p0 $0x0;
	s19 =	sadd.s32 $0x10, s24;
	vm3 =	vgt.u32 v6, v0;
	v5 =	vshll.u32 v3, $0x1;
	v1 =	vshrl.u32 v1, $0x2  }
0x36: {  	s31 =	smin.u32 s23, $0x10;
	s20 =	sadd.s32 $0x10, s19;
	v4 =	vand.u32 $0x1, v3;
	v3 =	vand.u32 $0x1FFC, v5;
	v1 =	vnsel vm1, $0x7FFFFFFF, v1  }
0x37: {  	s29 =	sshrl.u32 s12, $0x2;
	v8 =	vmov s31;
	[tilespmem:s21+$0x0] =	vst v2;
	v2 =	vld.msk [tilespmem:s20+$0x0 ss:$0x1], $0xffff;
	v4 =	vsel vm4, $0xFFFFFFFF, v4;
	v5 =	vsel vm4, $0xFFFFFFFC, v3  }
0x38: {  	s30 =	sand.u32 $0x200, s29;
	vm3 =	vmmov vm3;
	v3 =	vld.msk [tilespmem:s19+$0x0 ss:$0x1], $0xffff;
	v6 =	vand.u32 $0xFFFFE000, v4;
	v7 =	vand.u32 $0xFFFFFE00, v5  }
0x39: {  	s22 =	sadd.s32 $0x600, s30;
	s25 =	sadd.s32 $0xFFFFFFF0, s25;
	s23 =	simm.s32 $0x30;
	v4 =	vand.u32 $0x3, v4;
	v5 =	vand.u32 $0x1FC, v5;
	v6 =	vadd.s32 v6, v7  }
0x3a: {  	s21 =	sadd.s32 $0x10, s22;
	vm1 =	vmmov vm2;
	vm2 =	vgt.u32 v8, v0;
	[tilespmem:s24+$0x0] =	vst v4;
	s24 =	sadd.s32 $0x10, s20;
	(ifvalue) =	ssetifvalue $0x7FFFFFFF;
	v4 =	vor.u32 v5, v6  }
.LBB2_3:
0x3b: {  	[tilespmem:s22], [sflag:$0x3] =	stream.indirect_vreg.gather [hbm4b:s5+s11], $0x1, v1, vm0, $0x4038;
	[tilespmem:$0xB00] =	vst v63  }
0x3c: {  	p0 =	sgt.s32 s25, $0x0;
	s23 =	sadd.s32 $0x10, s23;
	s26 =	smov.u32 s25  }
0x3d: {  	v5 =	vand.u32 $0x1, v3;
	v6 =	vshll.u32 v3, $0x1;
	v4 =	vshrl.u32 v4, $0x2;
	v7 =	vmovc v2;
	v2 =	vld.msk [tilespmem:s24+$0x0 ss:$0x1], $0xffff;
	s26 =	simm.s32 @!p0 $0x0;
	p0 =	slt.u32 s23, $0x1F0  }
.Ltmp3:
0x3e: {  	vm4 =	veq.s32 v3, $0x80000000;
	v6 =	vand.u32 $0x1FFC, v6;
	v1 =	vnsel vm1, $0x7FFFFFFF, v4;
	v3 =	vmovc v7;
	(pc) =	sbr.rel @p0 .LBB2_3-.Ltmp3, $4  }
0x3f: {  	s22 =	smov.u32 s21;
	v4 =	vsel vm4, $0xFFFFFFFF, v5;
	vm1 =	vmmov vm3;
	v5 =	vsel vm4, $0xFFFFFFFC, v6  }
0x40: {  	s28 =	smov.u32 s19;
	s19 =	smov.u32 s20;
	s26 =	smin.u32 s26, $0x10;
	v6 =	vand.u32 $0xFFFFE000, v4;
	v7 =	vand.u32 $0xFFFFFE00, v5;
	v5 =	vand.u32 $0x1FC, v5  }
0x41: {  	s21 =	sadd.s32 $0x10, s21;
	s20 =	smov.u32 s24;
	v9 =	vand.u32 $0x3, v4;
	v8 =	vmov s26;
	v4 =	vadd.s32 v6, v7  }
0x42: {  	s24 =	sadd.s32 $0x10, s24;
	s25 =	sadd.s32 $0xFFFFFFF0, s25;
	vm3 =	vmmov vm2;
	vm2 =	vgt.u32 v8, v0;
	v4 =	vor.u32 v5, v4;
	[tilespmem:s28+$0x0] =	vst v9;
	(ifvalue) =	ssetifvalue $0x7FFFFFFF  }
0x43: {  	v5 =	vshll.u32 v3, $0x1  }
0x44: {  	v6 =	vand.u32 $0x1, v3;
	vm4 =	veq.s32 v3, $0x80000000;
	v4 =	vshrl.u32 v4, $0x2  }
0x45: {  	v60 =	vshll.u32 v2, $0x1;
	v8 =	vand.u32 $0x1, v2;
	vm15 =	veq.s32 v2, $0x80000000  }
0x46: {  	v3 =	vand.u32 $0x1FFC, v5;
	v59 =	vsel vm4, $0xFFFFFFFF, v6;
	v2 =	vand.u32 $0x1FFC, v60  }
0x47: {  	v61 =	vsel vm15, $0xFFFFFFFF, v8;
	v4 =	vnsel vm1, $0x7FFFFFFF, v4;
	v3 =	vsel vm4, $0xFFFFFFFC, v3  }
0x48: {  	vm1 =	vmmov vm3;
	v6 =	vand.u32 $0xFFFFE000, v59;
	v7 =	vand.u32 $0xFFFFFE00, v3  }
0x49: {  	v2 =	vsel vm15, $0xFFFFFFFC, v2;
	v3 =	vand.u32 $0x1FC, v3;
	v6 =	vadd.s32 v6, v7  }
0x4a: {  	v62 =	vand.u32 $0xFFFFE000, v61;
	v63 =	vand.u32 $0xFFFFFE00, v2;
	v3 =	vor.u32 v3, v6  }
0x4b: {  	v2 =	vand.u32 $0x1FC, v2;
	v6 =	vadd.s32 v62, v63;
	v3 =	vshrl.u32 v3, $0x2  }
0x4c: {  	vm2 =	vmmov vm2;
	v2 =	vor.u32 v2, v6;
	v3 =	vnsel vm1, $0x7FFFFFFF, v3  }
0x4d: {  	[tilespmem:s22], [sflag:$0x3] =	stream.indirect_vreg.gather [hbm4b:s5+s11], $0x1, v1, vm0, $0x4038;
	v5 =	vand.u32 $0x3, v59;
	vm1 =	vmmov vm2;
	v1 =	vshrl.u32 v2, $0x2;
	[tilespmem:$0xB00] =	vst v63  }
0x4e: {  	[tilespmem:s19+$0x0] =	vst v5;
	(ifvalue) =	ssetifvalue $0x7FFFFFFF;
	v1 =	vnsel vm1, $0x7FFFFFFF, v1  }
0x4f: {  	[tilespmem:s21], [sflag:$0x3] =	stream.indirect_vreg.gather [hbm4b:s5+s11], $0x1, v4, vm0, $0x4038;
	v2 =	vand.u32 $0x3, v61;
	[tilespmem:$0xB00] =	vst v63  }
0x50: {  	s31 =	sadd.s32 $0x10, s21;
	[tilespmem:s20+$0x0] =	vst v2;
	(ifvalue) =	ssetifvalue $0x7FFFFFFF  }
0x51: {  	[tilespmem:s31], [sflag:$0x3] =	stream.indirect_vreg.gather [hbm4b:s5+s11], $0x1, v3, vm0, $0x4038;
	[tilespmem:$0xB00] =	vst v63  }
0x52: {  	s19 =	sadd.s32 $0x10, s31;
	(ifvalue) =	ssetifvalue $0x7FFFFFFF  }
0x53: {  	[tilespmem:s19], [sflag:$0x3] =	stream.indirect_vreg.gather [hbm4b:s5+s11], $0x1, v1, vm0, $0x4038;
	[tilespmem:$0xB00] =	vst v63  }
.LBB2_5:
0x54: {  	p0 =	slt.u32 s17, $0x2  }
0x55: {  	p1 =	sge.u32 @!p0 s17, s10  }
0x56: {  	p0 =	por p0, p1  }
.Ltmp4:
0x57: {  	_ = 	snop;
	(pc) =	sbr.rel @p0 .LBB2_7-.Ltmp4, $1  }
0x58: {  	_ =	sdelay $0x3  }
0x59: {  	s19 =	sadd.s32 $0xFFFFFFFE, s17  }
0x5a: {  	s20 =	smulhi.u32 $0xAAAAAAAB, s19  }
0x5b: {  	_ =	swait.ge [sflag:s8], $0x200  }
0x5c: {  	s21 =	sand.u32 $0x1, s17;
	[sflag:s8] =	ssyncset.done $0x0;
	s20 =	sshrl.u32 s20, $0x1  }
0x5d: {  	s28 =	sshll.u32 s21, $0x9;
	[sflag:s8] =	ssyncadd.s32 $0xFFFFFE00;
	s20 =	smul.u32 $0x3, s20  }
0x5e: {  	v1 =	vld [tilespmem:s28+$0x600]  }
0x5f: {  	v3 =	vld [tilespmem:s28+$0x680];
	s20 =	ssub.s32 s19, s20  }
0x60: {  	v6 =	vld [tilespmem:s28+$0x700];
	s20 =	sshll.u32 s20, $0x9  }
0x61: {  	v2 =	vld [tilespmem:s20+$0x0]  }
0x62: {  	v4 =	vld [tilespmem:s20+$0x80]  }
0x63: {  	v5 =	vld [tilespmem:s20+$0x100]  }
0x64: {  	v7 =	vld [tilespmem:s20+$0x180];
	_ =	sdelay $0x1  }
0x65: {  	v8 =	vld [tilespmem:s28+$0x780]  }
0x66: {  	v2 =	vshll.u32 v2, $0x3;
	v4 =	vshll.u32 v4, $0x3  }
0x67: {  	v1 =	vshrl.u32 v1, v2;
	v2 =	vshrl.u32 v3, v4;
	v3 =	vshll.u32 v5, $0x3  }
0x68: {  	v21 =	vshll.u32 v7, $0x3;
	v2 =	vshll.u32 v2, $0x8;
	v3 =	vshrl.u32 v6, v3  }
0x69: {  	v1 =	vand.u32 $0xFF, v1;
	v2 =	vand.u32 $0xFF00, v2;
	v3 =	vshll.u32 v3, $0x10  }
0x6a: {  	v1 =	vor.u32 v1, v2;
	v2 =	vand.u32 $0xFF0000, v3;
	v3 =	vshrl.u32 v8, v21  }
0x6b: {  	v1 =	vor.u32 v2, v1;
	v2 =	vshll.u32 v3, $0x18  }
0x6c: {  	s21 =	sshll.u32 s21, $0x7;
	v1 =	vor.u32 v2, v1  }
0x6d: {  	[tilespmem:s21+$0xA00] =	vst v1  }
0x6e: {  	v1 =	vld [tilespmem:s28+$0x610]  }
0x6f: {  	v2 =	vld [tilespmem:s20+$0x10]  }
0x70: {  	v3 =	vld [tilespmem:s28+$0x690]  }
0x71: {  	v22 =	vld [tilespmem:s20+$0x90]  }
0x72: {  	v23 =	vld [tilespmem:s20+$0x110]  }
0x73: {  	v24 =	vld [tilespmem:s28+$0x710]  }
0x74: {  	v25 =	vld [tilespmem:s20+$0x190];
	_ =	sdelay $0x1  }
0x75: {  	v26 =	vld [tilespmem:s28+$0x790]  }
0x76: {  	v2 =	vshll.u32 v2, $0x3;
	v4 =	vshll.u32 v22, $0x3  }
0x77: {  	v1 =	vshrl.u32 v1, v2;
	v2 =	vshrl.u32 v3, v4;
	v3 =	vshll.u32 v23, $0x3  }
0x78: {  	v27 =	vshll.u32 v25, $0x3;
	v2 =	vshll.u32 v2, $0x8;
	v3 =	vshrl.u32 v24, v3  }
0x79: {  	v1 =	vand.u32 $0xFF, v1;
	v2 =	vand.u32 $0xFF00, v2;
	v3 =	vshll.u32 v3, $0x10  }
0x7a: {  	v1 =	vor.u32 v1, v2;
	v2 =	vand.u32 $0xFF0000, v3;
	v3 =	vshrl.u32 v26, v27  }
0x7b: {  	v1 =	vor.u32 v2, v1;
	v2 =	vshll.u32 v3, $0x18  }
0x7c: {  	v1 =	vor.u32 v2, v1  }
0x7d: {  	[tilespmem:s21+$0xA10] =	vst v1  }
0x7e: {  	v1 =	vld [tilespmem:s28+$0x620]  }
0x7f: {  	v2 =	vld [tilespmem:s20+$0x20]  }
0x80: {  	v3 =	vld [tilespmem:s28+$0x6A0]  }
0x81: {  	v28 =	vld [tilespmem:s20+$0xA0]  }
0x82: {  	v29 =	vld [tilespmem:s20+$0x120]  }
0x83: {  	v30 =	vld [tilespmem:s28+$0x720]  }
0x84: {  	v31 =	vld [tilespmem:s20+$0x1A0];
	_ =	sdelay $0x1  }
0x85: {  	v32 =	vld [tilespmem:s28+$0x7A0]  }
0x86: {  	v2 =	vshll.u32 v2, $0x3;
	v4 =	vshll.u32 v28, $0x3  }
0x87: {  	v1 =	vshrl.u32 v1, v2;
	v2 =	vshrl.u32 v3, v4;
	v3 =	vshll.u32 v29, $0x3  }
0x88: {  	v33 =	vshll.u32 v31, $0x3;
	v2 =	vshll.u32 v2, $0x8;
	v3 =	vshrl.u32 v30, v3  }
0x89: {  	v1 =	vand.u32 $0xFF, v1;
	v2 =	vand.u32 $0xFF00, v2;
	v3 =	vshll.u32 v3, $0x10  }
0x8a: {  	v1 =	vor.u32 v1, v2;
	v2 =	vand.u32 $0xFF0000, v3;
	v3 =	vshrl.u32 v32, v33  }
0x8b: {  	v1 =	vor.u32 v2, v1;
	v2 =	vshll.u32 v3, $0x18  }
0x8c: {  	v1 =	vor.u32 v2, v1  }
0x8d: {  	[tilespmem:s21+$0xA20] =	vst v1  }
0x8e: {  	v1 =	vld [tilespmem:s28+$0x630]  }
0x8f: {  	v2 =	vld [tilespmem:s20+$0x30]  }
0x90: {  	v3 =	vld [tilespmem:s28+$0x6B0]  }
0x91: {  	v34 =	vld [tilespmem:s20+$0xB0]  }
0x92: {  	v35 =	vld [tilespmem:s20+$0x130]  }
0x93: {  	v36 =	vld [tilespmem:s28+$0x730]  }
0x94: {  	v37 =	vld [tilespmem:s20+$0x1B0];
	_ =	sdelay $0x1  }
0x95: {  	v38 =	vld [tilespmem:s28+$0x7B0]  }
0x96: {  	v2 =	vshll.u32 v2, $0x3;
	v4 =	vshll.u32 v34, $0x3  }
0x97: {  	v1 =	vshrl.u32 v1, v2;
	v2 =	vshrl.u32 v3, v4;
	v3 =	vshll.u32 v35, $0x3  }
0x98: {  	v39 =	vshll.u32 v37, $0x3;
	v2 =	vshll.u32 v2, $0x8;
	v3 =	vshrl.u32 v36, v3  }
0x99: {  	v1 =	vand.u32 $0xFF, v1;
	v2 =	vand.u32 $0xFF00, v2;
	v3 =	vshll.u32 v3, $0x10  }
0x9a: {  	v1 =	vor.u32 v1, v2;
	v2 =	vand.u32 $0xFF0000, v3;
	v3 =	vshrl.u32 v38, v39  }
0x9b: {  	v1 =	vor.u32 v2, v1;
	v2 =	vshll.u32 v3, $0x18  }
0x9c: {  	v1 =	vor.u32 v2, v1  }
0x9d: {  	[tilespmem:s21+$0xA30] =	vst v1  }
0x9e: {  	v1 =	vld [tilespmem:s28+$0x640]  }
0x9f: {  	v2 =	vld [tilespmem:s20+$0x40]  }
0xa0: {  	v3 =	vld [tilespmem:s28+$0x6C0]  }
0xa1: {  	v40 =	vld [tilespmem:s20+$0xC0]  }
0xa2: {  	v41 =	vld [tilespmem:s20+$0x140]  }
0xa3: {  	v42 =	vld [tilespmem:s28+$0x740]  }
0xa4: {  	v43 =	vld [tilespmem:s20+$0x1C0];
	_ =	sdelay $0x1  }
0xa5: {  	v44 =	vld [tilespmem:s28+$0x7C0]  }
0xa6: {  	v2 =	vshll.u32 v2, $0x3;
	v4 =	vshll.u32 v40, $0x3  }
0xa7: {  	v1 =	vshrl.u32 v1, v2;
	v2 =	vshrl.u32 v3, v4;
	v3 =	vshll.u32 v41, $0x3  }
0xa8: {  	v45 =	vshll.u32 v43, $0x3;
	v2 =	vshll.u32 v2, $0x8;
	v3 =	vshrl.u32 v42, v3  }
0xa9: {  	v1 =	vand.u32 $0xFF, v1;
	v2 =	vand.u32 $0xFF00, v2;
	v3 =	vshll.u32 v3, $0x10  }
0xaa: {  	v1 =	vor.u32 v1, v2;
	v2 =	vand.u32 $0xFF0000, v3;
	v3 =	vshrl.u32 v44, v45  }
0xab: {  	v1 =	vor.u32 v2, v1;
	v2 =	vshll.u32 v3, $0x18  }
0xac: {  	v1 =	vor.u32 v2, v1  }
0xad: {  	[tilespmem:s21+$0xA40] =	vst v1  }
0xae: {  	v1 =	vld [tilespmem:s28+$0x650]  }
0xaf: {  	v2 =	vld [tilespmem:s20+$0x50]  }
0xb0: {  	v3 =	vld [tilespmem:s28+$0x6D0]  }
0xb1: {  	v46 =	vld [tilespmem:s20+$0xD0]  }
0xb2: {  	v47 =	vld [tilespmem:s20+$0x150]  }
0xb3: {  	v48 =	vld [tilespmem:s28+$0x750]  }
0xb4: {  	v49 =	vld [tilespmem:s20+$0x1D0];
	_ =	sdelay $0x1  }
0xb5: {  	v50 =	vld [tilespmem:s28+$0x7D0]  }
0xb6: {  	v2 =	vshll.u32 v2, $0x3;
	v4 =	vshll.u32 v46, $0x3  }
0xb7: {  	v1 =	vshrl.u32 v1, v2;
	v2 =	vshrl.u32 v3, v4;
	v3 =	vshll.u32 v47, $0x3  }
0xb8: {  	v51 =	vshll.u32 v49, $0x3;
	v2 =	vshll.u32 v2, $0x8;
	v3 =	vshrl.u32 v48, v3  }
0xb9: {  	v1 =	vand.u32 $0xFF, v1;
	v2 =	vand.u32 $0xFF00, v2;
	v3 =	vshll.u32 v3, $0x10  }
0xba: {  	v1 =	vor.u32 v1, v2;
	v2 =	vand.u32 $0xFF0000, v3;
	v3 =	vshrl.u32 v50, v51  }
0xbb: {  	v1 =	vor.u32 v2, v1;
	v2 =	vshll.u32 v3, $0x18  }
0xbc: {  	v1 =	vor.u32 v2, v1  }
0xbd: {  	[tilespmem:s21+$0xA50] =	vst v1  }
0xbe: {  	v1 =	vld [tilespmem:s28+$0x660]  }
0xbf: {  	v2 =	vld [tilespmem:s20+$0x60]  }
0xc0: {  	v3 =	vld [tilespmem:s28+$0x6E0]  }
0xc1: {  	v52 =	vld [tilespmem:s20+$0xE0]  }
0xc2: {  	v53 =	vld [tilespmem:s20+$0x160]  }
0xc3: {  	v54 =	vld [tilespmem:s28+$0x760]  }
0xc4: {  	v55 =	vld [tilespmem:s20+$0x1E0];
	_ =	sdelay $0x1  }
0xc5: {  	v56 =	vld [tilespmem:s28+$0x7E0]  }
0xc6: {  	v2 =	vshll.u32 v2, $0x3;
	v4 =	vshll.u32 v52, $0x3  }
0xc7: {  	v1 =	vshrl.u32 v1, v2;
	v2 =	vshrl.u32 v3, v4;
	v3 =	vshll.u32 v53, $0x3  }
0xc8: {  	v57 =	vshll.u32 v55, $0x3;
	v2 =	vshll.u32 v2, $0x8;
	v3 =	vshrl.u32 v54, v3  }
0xc9: {  	v1 =	vand.u32 $0xFF, v1;
	v2 =	vand.u32 $0xFF00, v2;
	v3 =	vshll.u32 v3, $0x10  }
0xca: {  	v1 =	vor.u32 v1, v2;
	v2 =	vand.u32 $0xFF0000, v3;
	v3 =	vshrl.u32 v56, v57  }
0xcb: {  	v1 =	vor.u32 v2, v1;
	v2 =	vshll.u32 v3, $0x18  }
0xcc: {  	v1 =	vor.u32 v2, v1  }
0xcd: {  	[tilespmem:s21+$0xA60] =	vst v1  }
0xce: {  	v1 =	vld [tilespmem:s28+$0x670]  }
0xcf: {  	v2 =	vld [tilespmem:s20+$0x70]  }
0xd0: {  	v3 =	vld [tilespmem:s28+$0x6F0]  }
0xd1: {  	v58 =	vld [tilespmem:s20+$0xF0]  }
0xd2: {  	v59 =	vld [tilespmem:s20+$0x170]  }
0xd3: {  	v60 =	vld [tilespmem:s28+$0x770]  }
0xd4: {  	v61 =	vld [tilespmem:s20+$0x1F0];
	_ =	sdelay $0x1  }
0xd5: {  	v62 =	vld [tilespmem:s28+$0x7F0]  }
0xd6: {  	v2 =	vshll.u32 v2, $0x3;
	v4 =	vshll.u32 v58, $0x3  }
0xd7: {  	v1 =	vshrl.u32 v1, v2;
	v2 =	vshrl.u32 v3, v4;
	v3 =	vshll.u32 v59, $0x3  }
0xd8: {  	v63 =	vshll.u32 v61, $0x3;
	v3 =	vshrl.u32 v60, v3;
	v2 =	vshll.u32 v2, $0x8  }
0xd9: {  	v1 =	vand.u32 $0xFF, v1;
	v2 =	vand.u32 $0xFF00, v2;
	v3 =	vshll.u32 v3, $0x10  }
.Ltmp5:
0xda: {  	v1 =	vor.u32 v1, v2;
	v2 =	vshrl.u32 v62, v63;
	v3 =	vand.u32 $0xFF0000, v3;
	(pc) =	sbr.rel .LBB2_7-.Ltmp5, $4  }
0xdb: {  	v1 =	vor.u32 v3, v1;
	v2 =	vshll.u32 v2, $0x18  }
0xdc: {  	s29 =	sshrl.u32 s18, $0x2;
	s30 =	sshrl.u32 s18, $0x5;
	v1 =	vor.u32 v2, v1  }
0xdd: {  	s18 =	sadd.s32 s30, s7;
	s31 =	sor.u32 $0xA00, s21;
	s19 =	sand.u32 $0x7, s29;
	[tilespmem:s21+$0xA70] =	vst v1  }
0xde: {  	[hbm4b:s18+s19] =	stream.linear.scatter [tilespmem:s31], [sflag:$0x4], $0x80, $0x38;
	[tilespmem:$0xB00] =	vst v63  }
.LBB2_8:
0xdf: {  	_ =	sfence.sel $0x180000  }
0xe0: {  	s2 =	simm.s32 $0x2;
	[bflag:$0x0] =	sbarrier.arrive $0xFFFF  }
0xe1: {  	s29 =	simm.s32 $0x3;
	[sflag:s2] =	ssyncpa.u1 $0x1  }
0xe2: {  	s30 =	simm.s32 $0x4;
	[sflag:s29] =	ssyncpa.u1 $0x1  }
0xe3: {  	s31 =	simm.s32 $0x1;
	[sflag:s30] =	ssyncpa.u1 $0x1  }
0xe4: {  	[sflag:s31] =	ssyncpa.u1 $0x1  }
0xe5: {  	p0 =	sne.s32 s0, $0x0;
	_ =	strace $0x9000004D  }
0xe6: {  	s0 =	sadd.s32 @!p0 $0x100000, s1;
	[bflag:$0x2] =	sbarrier.arrive $0xFFFF  }
0xe7: {  	[sflag:s0] =	ssyncadd.tile.s32 @!p0 $0x1;
	_ =	shalt  }
.Lfunc_end2:
_tile_overlayer_lowered:
.L_overlay_start_2:
0xe8: {  	(tag) =	ssettag $0x2  }
0xe9: {  	s0 =	rddreg [dreg:$0x0];
	s2 =	stileid.u32  }
0xea: {  	s1 =	rddreg [dreg:$0x1];
	p0 =	sne.s32 s2, $0x0  }
0xeb: {  	s3 =	rddreg [dreg:$0x2];
	[bflag:$0x3] =	sbarrier.arrive $0xFFFF;
	s2 =	simm.s32 @!p0 $0x1C01  }
0xec: {  	[timem:s3], [sflag:s2] =	dma.local @!p0 [hbm:s0], s1  }
0xed: {  	s0 =	simm.s32 @!p0 $0x1  }
0xee: {  	_ =	swait.ge @!p0 [sflag:s0], s1  }
0xef: {  	s1 =	ssub.s32 @!p0 $0x0, s1;
	[sflag:s0] =	ssyncset.done @!p0 $0x0  }
0xf0: {  	[sflag:s0] =	ssyncadd.s32 @!p0 s1  }
0xf1: {  	[bflag:$0x3] =	sbarrier.arrive $0xFFFF  }
0xf2: {  	_ =	shalt  }

// kernel: gather_offload_async_start.3
scs
__scs_entry_jumppad:
0x0: {  	(pc) =	sbr.rel $0x88, $3  }
0x1: {  	(tag) =	ssettag $0x0;
	lr =	simm.s32 $0x1  }
0x2: {  	[smem:$0x3F9A] =	sst lr;
	_ =	strace $0xD0000000  }
0x3: {  	_ = 	snop  }
0x4: {  	_ = 	snop  }
0x5: {  	_ = 	snop  }
0x6: {  	_ = 	snop  }
0x7: {  	_ = 	snop  }
__scs_overlays_trampoline_lowered:
0x8: {  	[smem:$0x3FA9] =	sst s0  }
0x9: {  	[smem:$0x3FAA] =	sst s1  }
0xa: {  	[smem:$0x3FAB] =	sst s2  }
0xb: {  	[smem:$0x3FAC] =	sst s3  }
0xc: {  	[smem:$0x3FAD] =	sst s4  }
0xd: {  	[smem:$0x3FAE] =	sst s5  }
0xe: {  	[smem:$0x3FAF] =	sst s6  }
0xf: {  	[smem:$0x3FB0] =	sst s7  }
0x10: {  	[smem:$0x3FB1] =	sst s8  }
0x11: {  	[smem:$0x3FB2] =	sst s9;
	s0 =	simm.s32 @!p0 $0x0  }
0x12: {  	s1 =	sld [smem:$0x3F98];
	s0 =	simm.s32 @p0 $0x1  }
0x13: {  	[smem:$0x3FB3] =	sst s0;
	s0 =	simm.s32 @!p1 $0x0  }
0x14: {  	s2 =	sld [smem:$0x3F97];
	s0 =	simm.s32 @p1 $0x1  }
0x15: {  	[smem:$0x3FB4] =	sst s0;
	s0 =	simm.s32 @!p2 $0x0  }
0x16: {  	s3 =	sld [smem:$0x3FDB];
	s0 =	simm.s32 @p2 $0x1  }
0x17: {  	s4 =	simm.s32 $0x1BF5;
	[smem:$0x3FB6] =	sst s0  }
0x18: {  	s0 =	sld [smem:$0x3F99];
	_ =	swait.ge [sflag:s4], $0x0  }
0x19: {  	s7 =	sld [smem:$0x3F9A]  }
0x1a: {  	s8 =	sadd.s32 $0xFFFFE003, lr  }
0x1b: {  	s9 =	sadd.s32 $0xFFFFFEF7, lr;
	s5 =	simm.s32 $0xFFFFFFFF;
	p2 =	slt.u32 s8, $0xFFFFF086  }
0x1c: {  	p1 =	slt.u32 s9, $0xF7A;
	s5 =	simm.s32 @!p2 $0x0  }
0x1d: {  	s5 =	simm.s32 @p1 $0x1;
	p0 =	seq.s32 s7, s2  }
0x1e: {  	s7 =	smul.u32 @!p0 $0xF7A, s2;
	p2 =	seq.s32 @!p0 s5, $0x0  }
0x1f: {  	s9 =	smul.u32 $0xF7A, s1;
	s8 =	simm.s32 @!p0 $0x1BF5;
	p2 =	por !p2, p0  }
0x20: {  	[sflag:s8] =	ssyncset.s32 @!p0 $0xFFFFF086;
	s6 =	sadd.s32 @!p0 s3, s7;
	s7 =	simm.s32 @!p0 $0x108  }
0x21: {  	s3 =	sadd.s32 s3, s9;
	s6 =	sadd.s32 @!p0 $0x88, s6;
	s7 =	simm.s32 @p2 $0x1082  }
0x22: {  	[simem:s7], [sflag:s8] =	dma.local @!p0 [hbm:s6], $0xF7A  }
0x23: {  	s9 =	sor.u32 $0xD0000000, s2;
	s6 =	simm.s32 $0x108;
	_ =	swait.ge @!p0 [sflag:s8], $0x0  }
0x24: {  	s3 =	sadd.s32 $0x88, s3;
	s6 =	simm.s32 @!p1 $0x1082;
	[sflag:s4] =	ssyncset.s32 $0xFFFFF086  }
0x25: {  	[simem:s6], [sflag:s4] =	dma.local [hbm:s3], $0xF7A  }
0x26: {  	[smem:$0x3F9A] =	sst s1;
	(tag) =	ssettag s2;
	_ =	strace s9  }
0x27: {  	s1 =	sld [smem:$0x3FAA]  }
0x28: {  	s2 =	sld [smem:$0x3FAB]  }
0x29: {  	s4 =	sld [smem:$0x3FAD]  }
0x2a: {  	p0 =	seq.s32 s5, $0x0;
	s5 =	sld [smem:$0x3FAE]  }
0x2b: {  	s6 =	sld [smem:$0x3FAF]  }
0x2c: {  	s7 =	sld [smem:$0x3FB0]  }
0x2d: {  	s3 =	simm.s32 $0x108;
	s8 =	sld [smem:$0x3FB1]  }
0x2e: {  	s3 =	simm.s32 @!p0 $0x1082;
	s9 =	sld [smem:$0x3FB2]  }
0x2f: {  	lr =	sadd.s32 s0, s3;
	s0 =	sld [smem:$0x3FA9]  }
0x30: {  	s3 =	sld [smem:$0x3FAC]  }
0x31: {  	[smem:$0x3FB5] =	sst s10  }
0x32: {  	s10 =	sld [smem:$0x3FB3];
	_ =	sdelay $0x3  }
0x33: {  	p0 =	seq.s32 s10, $0x1;
	s10 =	sld [smem:$0x3FB5];
	_ =	sdelay $0x3  }
0x34: {  	[smem:$0x3FB5] =	sst s10  }
0x35: {  	s10 =	sld [smem:$0x3FB4];
	_ =	sdelay $0x3  }
0x36: {  	p1 =	seq.s32 s10, $0x1;
	s10 =	sld [smem:$0x3FB5];
	_ =	sdelay $0x3  }
0x37: {  	[smem:$0x3FB5] =	sst s10  }
0x38: {  	s10 =	sld [smem:$0x3FB6]  }
0x39: {  	_ = 	snop;
	(pc) =	sbr.ind lr, $3  }
0x3a: {  	_ = 	snop  }
0x3b: {  	_ = 	snop  }
0x3c: {  	p2 =	seq.s32 s10, $0x1;
	s10 =	sld [smem:$0x3FB5]  }
0x3d: {  	_ =	shalt  }
0x3e: {  	_ =	shalt  }
0x3f: {  	_ =	shalt  }
0x40: {  	_ =	shalt  }
0x41: {  	_ =	shalt  }
0x42: {  	_ =	shalt  }
0x43: {  	_ =	shalt  }
0x44: {  	_ =	shalt  }
0x45: {  	_ =	shalt  }
0x46: {  	_ =	shalt  }
0x47: {  	_ =	shalt  }
0x48: {  	_ =	shalt  }
0x49: {  	_ =	shalt  }
0x4a: {  	_ =	shalt  }
0x4b: {  	_ =	shalt  }
0x4c: {  	_ =	shalt  }
0x4d: {  	_ =	shalt  }
0x4e: {  	_ =	shalt  }
0x4f: {  	_ =	shalt  }
0x50: {  	_ =	shalt  }
0x51: {  	_ =	shalt  }
0x52: {  	_ =	shalt  }
0x53: {  	_ =	shalt  }
0x54: {  	_ =	shalt  }
0x55: {  	_ =	shalt  }
0x56: {  	_ =	shalt  }
0x57: {  	_ =	shalt  }
0x58: {  	_ =	shalt  }
0x59: {  	_ =	shalt  }
0x5a: {  	_ =	shalt  }
0x5b: {  	_ =	shalt  }
0x5c: {  	_ =	shalt  }
0x5d: {  	_ =	shalt  }
0x5e: {  	_ =	shalt  }
0x5f: {  	_ =	shalt  }
0x60: {  	_ =	shalt  }
0x61: {  	_ =	shalt  }
0x62: {  	_ =	shalt  }
0x63: {  	_ =	shalt  }
0x64: {  	_ =	shalt  }
0x65: {  	_ =	shalt  }
0x66: {  	_ =	shalt  }
0x67: {  	_ =	shalt  }
0x68: {  	_ =	shalt  }
0x69: {  	_ =	shalt  }
0x6a: {  	_ =	shalt  }
0x6b: {  	_ =	shalt  }
0x6c: {  	_ =	shalt  }
0x6d: {  	_ =	shalt  }
0x6e: {  	_ =	shalt  }
0x6f: {  	_ =	shalt  }
0x70: {  	_ =	shalt  }
0x71: {  	_ =	shalt  }
0x72: {  	_ =	shalt  }
0x73: {  	_ =	shalt  }
0x74: {  	_ =	shalt  }
0x75: {  	_ =	shalt  }
0x76: {  	_ =	shalt  }
0x77: {  	_ =	shalt  }
0x78: {  	_ =	shalt  }
0x79: {  	_ =	shalt  }
0x7a: {  	_ =	shalt  }
0x7b: {  	_ =	shalt  }
0x7c: {  	_ =	shalt  }
0x7d: {  	_ =	shalt  }
0x7e: {  	_ =	shalt  }
0x7f: {  	_ =	shalt  }
0x80: {  	_ =	shalt  }
0x81: {  	_ =	shalt  }
0x82: {  	_ =	shalt  }
0x83: {  	_ =	shalt  }
0x84: {  	_ =	shalt  }
0x85: {  	_ =	shalt  }
0x86: {  	_ =	shalt  }
0x87: {  	_ =	shalt  }
.Lfunc_end0:
.L_simem_size_0:
called_computation.3_lowered:
.L_overlay_start_0:
0x88: {  	s2 =	sld [smem:$0x3FD9]  }
0x89: {  	s3 =	sld [smem:$0x3FFE];
	_ =	sdelay $0x1  }
0x8a: {  	s1 =	srdreg.scid  }
0x8b: {  	s0 =	sand.u32 $0x1, s1  }
0x8c: {  	s17 =	sshll.u32 s0, $0xA;
	s2 =	sadd.s32 s3, s2  }
0x8d: {  	s2 =	sadd.s32 s2, s17  }
0x8e: {  	[smem:$0x3FC1] =	sst s2  }
0x8f: {  	_ = 	snop  }
0x90: {  	s2 =	sld [smem:$0x3FD0];
	(tm) =	ssettm $0x1  }
0x91: {  	s18 =	sld [smem:$0x3FFB];
	_ =	sdelay $0x3  }
0x92: {  	_ =	strace s18  }
0x93: {  	s3 =	sld [smem:$0x3FFC];
	_ =	sdelay $0x3  }
0x94: {  	_ =	strace s3  }
0x95: {  	s3 =	sld [smem:$0x3FFD];
	_ =	sdelay $0x3  }
0x96: {  	_ =	strace s3  }
0x97: {  	_ =	strace $0x8FFFFFFF  }
0x98: {  	s19 =	sld [smem:$0x3FDB];
	_ =	sdelay $0x1  }
0x99: {  	s4 =	simm.s32 $_scs_section_size  }
0x9a: {  	s5 =	simm.s32 $_size__tile_overlayer_lowered;
	s6 =	simm.s32 $_tile_overlayer_lowered  }
0x9b: {  	s22 =	simm.s32 $0x1BFF;
	s21 =	sshll.u32 s6, $0x1;
	s3 =	sadd.s32 s4, s19  }
0x9c: {  	s7 =	simm.s32 $0x0;
	s20 =	sshll.u32 s5, $0x1;
	s5 =	sadd.s32 s21, s3  }
0x9d: {  	[timem:s7], [sflag:s22] =	dma.local [hbm:s5], s20  }
0x9e: {  	_ =	swait.ge [sflag:s22], s20  }
0x9f: {  	s4 =	ssub.s32 $0x0, s20;
	[sflag:s22] =	ssyncset.done $0x0  }
0xa0: {  	[sflag:s22] =	ssyncadd.s32 s4;
	_ =	sdelay $0x1  }
0xa1: {  	s23 =	simm.s32 $0x1B8B  }
0xa2: {  	_ =	swait.ge [sflag:s23], $0x1  }
0xa3: {  	[sflag:s23] =	ssyncset.done $0x0  }
0xa4: {  	s25 =	simm.s32 $0x1B8E;
	s24 =	sld [smem:$0x3FFE];
	[sflag:s23] =	ssyncadd.s32 $0xFFFFFFFF  }
0xa5: {  	s26 =	simm.s32 $execute0_lowered;
	[smem:$0x3FD2] =	sst s25  }
0xa6: {  	s5 =	sshll.u32 s26, $0x1;
	_ =	strace $0x8000004F;
	[dreg:$0x1] =	wrdreg $0xFFFFFFFF  }
0xa7: {  	s28 =	simm.s32 $_size_execute0_lowered;
	s3 =	sadd.s32 s3, s5;
	[dreg:$0x0] =	wrdreg $0x0  }
0xa8: {  	s5 =	sshll.u32 s28, $0x1;
	[dreg:$0x2] =	wrdreg s3  }
0xa9: {  	[dreg:$0x3] =	wrdreg s5  }
0xaa: {  	[dreg:$0x4] =	wrdreg $0xC0  }
0xab: {  	_ =	task [dreg:s7], $0x5FFFF  }
0xac: {  	[dreg:$0x1] =	wrdreg $0xFFFFFFFF  }
0xad: {  	[dreg:$0x0] =	wrdreg $0x60  }
0xae: {  	[dreg:$0x2] =	wrdreg s24  }
0xaf: {  	[dreg:$0x3] =	wrdreg s2  }
0xb0: {  	[dreg:$0x4] =	wrdreg $0x9  }
0xb1: {  	_ =	task.clear_ibuf [dreg:s7], $0x5FFFF;
	_ =	strace $0x9000004F  }
0xb2: {  	s29 =	simm.s32 $0x9;
	_ =	strace $0x80000051  }
0xb3: {  	_ =	swait.ge [sflag:s29], $0x1  }
0xb4: {  	[sflag:s29] =	ssyncadd.s32 $0xFFFFFFFF  }
0xb5: {  	_ =	strace $0x90000051  }
0xb6: {  	_ =	sfence  }
0xb7: {  	s30 =	sld [smem:$0x0];
	_ =	sdelay $0x2  }
0xb8: {  	s31 =	sshll.u32 s1, $0xD;
	s1 =	sshrl.u32 s1, $0x2  }
0xb9: {  	s3 =	sand.u32 $0x4000, s31;
	s1 =	sadd.s32 s1, s30  }
0xba: {  	s0 =	sor.u32 s3, s0;
	s1 =	sshll.u32 s1, $0x11  }
0xbb: {  	s0 =	sor.u32 s1, s0  }
0xbc: {  	s0 =	sadd.s32 $0x8F2B, s0  }
0xbd: {  	[sflag:s0] =	ssyncadd.remote.s32 $0x1  }
0xbe: {  	_ =	sfence.sel $0xFFFF  }
0xbf: {  	[dreg:$0x0] =	wrdreg $0xFFFFFFFF;
	(pc) =	sbr.abs _section_cstart, $3  }
0xc0: {  	[dreg:$0x1] =	wrdreg $0xFFFFFFFF  }
0xc1: {  	_ =	task.clear_ibuf [dreg:s7], $0x2FFFF;
	_ =	strace $0x9FFFFFFF  }
0xc2: {  	(tm) =	ssettm $0x7FFFFFFF  }
0xc3: {  	_ =	shalt  }
tec
execute0_lowered:
.L_overlay_start_1:
0x0: {  	(tag) =	ssettag $0x1  }
0x1: {  	s0 =	srdreg.scid  }
0x2: {  	s1 =	sshll.u32 s0, $0x4  }
0x3: {  	s0 =	stileid.u32;
	s1 =	sand.u32 $0x10, s1  }
0x4: {  	s2 =	sor.u32 s0, s1  }
0x5: {  	s1 =	smin.u32 s2, $0x12  }
0x6: {  	s1 =	sadd.s32 s2, s1  }
0x7: {  	p0 =	slt.u32 s2, $0x12;
	s2 =	simm.s32 $0xA0;
	s1 =	smul.u32 $0x50, s1  }
0x8: {  	s2 =	simm.s32 @!p0 $0x50  }
0x9: {  	s2 =	sadd.s32 s2, s1  }
0xa: {  	s3 =	smin.u32 s2, $0xFA0  }
0xb: {  	s7 =	ssub.s32 s3, s1  }
0xc: {  	p0 =	sgt.s32 s7, $0x0  }
0xd: {  	s7 =	simm.s32 @!p0 $0x0  }
0xe: {  	s9 =	rddreg [dreg:$0x0];
	s31 =	smul.u32 $0xCCCD, s7  }
0xf: {  	s4 =	rddreg [dreg:$0x1];
	s6 =	simm.s32 $0x1  }
0x10: {  	s11 =	simm.s32 $0x3;
	s13 =	simm.s32 $0x0;
	s8 =	sshrl.u32 s31, $0x16  }
0x11: {  	s12 =	simm.s32 $0x0;
	s5 =	sadd.s32 $0xA00, s9;
	s10 =	smul.u32 $0x50, s8  }
.Ltmp0:
0x12: {  	s9 =	sadd.s32 $0x10400, s9;
	s2 =	rddreg [dreg:$0x2];
	(pc) =	sbr.rel .LBB2_1-.Ltmp0, $4  }
0x13: {  	_ =	strace $0x80000050;
	p0 =	sne.s32 s7, s10;
	s10 =	simm.s32 $0x1  }
0x14: {  	[sflag:s6] =	ssyncpa.u1 $0x0;
	s7 =	simm.s32 $0x2;
	s10 =	simm.s32 @!p0 $0x0  }
0x15: {  	[sflag:s7] =	ssyncpa.u1 $0x0;
	p0 =	por $0x0, $0x0;
	s8 =	sadd.s32 s8, s10  }
0x16: {  	v0 =	vimm.s32 $0x0;
	vm0 =	vmmov $0xff;
	vm1 =	vcmask $0x3F20;
	[sflag:s11] =	ssyncpa.u1 $0x0;
	s11 =	smov.u32 s1;
	s10 =	sadd.s32 $0x1, s8  }
.LBB2_6:
0x17: {  	[hbm:s17] =	stream.linear.scatter [tilespmem:s14], [sflag:$0x3], $0x400, $0x38;
	[tilespmem:$0x50A0] =	vst v63  }
.LBB2_7:
0x18: {  	s13 =	sadd.s32 $0x50, s11  }
0x19: {  	s15 =	smov.u32 s1;
	p2 =	slt.s32 s13, s3  }
0x1a: {  	s15 =	smov.u32 @p2 s13;
	p2 =	sne.s32 s12, s10  }
.Ltmp1:
0x1b: {  	p1 =	slt.u32 s12, $0x2;
	(pc) =	sbr.rel @!p2 .LBB2_8-.Ltmp1, $4  }
0x1c: {  	s14 =	simm.s32 @!p1 $0x3  }
0x1d: {  	s16 =	sadd.s32 $0x1, s12;
	_ =	swait.ge @!p1 [sflag:s14], $0x2800  }
0x1e: {  	p0 =	por !p0, !p0;
	s13 =	smov.u32 s11;
	[sflag:s14] =	ssyncset.done @!p1 $0x0  }
0x1f: {  	s12 =	smov.u32 s16;
	s11 =	smov.u32 s15;
	[sflag:s14] =	ssyncadd.s32 @!p1 $0xFFFFD800  }
.LBB2_1:
0x20: {  	p1 =	sge.u32 s12, s8  }
0x21: {  	s14 =	sxor.u32 @!p1 $0xFFFFFFFF, s12  }
0x22: {  	s14 =	sand.u32 @!p1 $0x1, s14  }
0x23: {  	s14 =	smul.u32 @!p1 $0x140, s14  }
0x24: {  	s31 =	sadd.s32 $0xFFFFFFFF, s12;
	s15 =	sshrl.u32 @!p1 s11, $0x3  }
0x25: {  	s16 =	sand.u32 @!p1 $0x7, s11;
	s15 =	sadd.s32 @!p1 s4, s15;
	s14 =	sshrl.u32 @!p1 s14, $0x2  }
0x26: {  	[tilespmem:s14], [sflag:$0x2] =	stream.linear.gather @!p1 [hbm4b:s15+s16], $0x50, $0x38;
	[tilespmem:$0x50A0] =	vst v63  }
0x27: {  	p1 =	sge.u32 s31, s8  }
.Ltmp2:
0x28: {  	_ = 	snop;
	(pc) =	sbr.rel @p1 .LBB2_7-.Ltmp2, $1  }
0x29: {  	_ =	sdelay $0x3  }
0x2a: {  	s14 =	simm.s32 $0x1  }
0x2b: {  	s14 =	simm.s32 @!p0 $0x0  }
0x2c: {  	s15 =	smul.u32 $0x140, s14  }
0x2d: {  	_ =	swait.ge [sflag:s7], $0x50  }
0x2e: {  	[sflag:s7] =	ssyncset.done $0x0;
	s16 =	sshrl.u32 s15, $0x2  }
0x2f: {  	[sflag:s7] =	ssyncadd.s32 $0xFFFFFFB0;
	s15 =	sadd.s32 $0x0, s16  }
0x30: {  	v1 =	vld.msk [tilespmem:s15+$0x0 ss:$0x1], $0xffff;
	_ =	sdelay $0x4  }
0x31: {  	v2 =	vand.u32 $0x1, v1;
	v3 =	vshll.u32 v1, $0x6  }
0x32: {  	vm2 =	veq.s32 v1, $0x80000000;
	vm3 =	veq.s32 v2, $0x1;
	v1 =	vand.u32 $0x3FF80, v3  }
0x33: {  	v2 =	vsel vm3, $0x3E800, v0;
	v1 =	vsel vm2, $0xFFFFFF80, v1  }
0x34: {  	v2 =	vsel vm2, $0xFFFC1800, v2;
	v3 =	vand.u32 $0xFFFFFC00, v1  }
0x35: {  	v1 =	vand.u32 $0x380, v1;
	v2 =	vadd.s32 v2, v3  }
0x36: {  	v1 =	vor.u32 v1, v2  }
0x37: {  	v1 =	vshrl.u32 v1, $0x3  }
0x38: {  	s14 =	smul.u32 $0xA000, s14;
	_ =	sdelay $0x1  }
0x39: {  	s14 =	sshrl.u32 s14, $0x2  }
0x3a: {  	s14 =	sor.u32 $0xA0, s14  }
0x3b: {  	[tilespmem:s14], [sflag:$0x1] =	stream.indirect_vreg.gather [hbm:s5], $0x80, v1, vm0, $0x38;
	[tilespmem:$0x50A0] =	vst v63  }
0x3c: {  	s17 =	sadd.s32 $0x10, s16;
	s15 =	sadd.s32 $0x400, s14  }
0x3d: {  	[tilespmem:s15], [sflag:$0x1] =	stream.indirect_vreg.gather [hbm:s5], $0x80, v1, vm1, $0x38;
	[tilespmem:$0x50A0] =	vst v63  }
0x3e: {  	s18 =	simm.s32 $0x80;
	v1 =	vld.msk [tilespmem:s17+$0x0 ss:$0x1], $0xffff;
	s17 =	smov.u32 s14  }
.LBB2_3:
0x3f: {  	p1 =	sne.s32 s18, $0x100;
	_ =	sdelay $0x4  }
0x40: {  	v2 =	vand.u32 $0x1, v1;
	v3 =	vshll.u32 v1, $0x6  }
0x41: {  	vm2 =	veq.s32 v1, $0x80000000;
	vm3 =	veq.s32 v2, $0x1;
	v1 =	vand.u32 $0x3FF80, v3  }
0x42: {  	v2 =	vsel vm3, $0x3E800, v0;
	v1 =	vsel vm2, $0xFFFFFF80, v1  }
0x43: {  	v2 =	vsel vm2, $0xFFFC1800, v2;
	v3 =	vand.u32 $0xFFFFFC00, v1  }
0x44: {  	v1 =	vand.u32 $0x380, v1;
	v2 =	vadd.s32 v2, v3  }
0x45: {  	v1 =	vor.u32 v1, v2  }
0x46: {  	v1 =	vshrl.u32 v1, $0x3;
	_ =	sdelay $0x3  }
.Ltmp3:
0x47: {  	s19 =	sshra.s32 s18, $0x2;
	s17 =	sadd.s32 $0x800, s17;
	(pc) =	sbr.rel @p1 .LBB2_3-.Ltmp3, $4  }
0x48: {  	[tilespmem:s17], [sflag:$0x1] =	stream.indirect_vreg.gather [hbm:s5], $0x80, v1, vm0, $0x38;
	[tilespmem:$0x50A0] =	vst v63  }
0x49: {  	s19 =	sadd.s32 s19, s16;
	s20 =	sadd.s32 $0x400, s17  }
0x4a: {  	[tilespmem:s20], [sflag:$0x1] =	stream.indirect_vreg.gather [hbm:s5], $0x80, v1, vm1, $0x38;
	[tilespmem:$0x50A0] =	vst v63  }
0x4b: {  	s18 =	sadd.s32 $0x40, s18;
	v1 =	vld.msk [tilespmem:s19+$0x0 ss:$0x1], $0xffff  }
0x4c: {  	_ =	sdelay $0x3  }
0x4d: {  	v2 =	vand.u32 $0x1, v1;
	v3 =	vshll.u32 v1, $0x6  }
0x4e: {  	vm2 =	veq.s32 v1, $0x80000000;
	vm3 =	veq.s32 v2, $0x1;
	v1 =	vand.u32 $0x3FF80, v3  }
0x4f: {  	v2 =	vsel vm3, $0x3E800, v0;
	v1 =	vsel vm2, $0xFFFFFF80, v1  }
0x50: {  	v2 =	vsel vm2, $0xFFFC1800, v2;
	v3 =	vand.u32 $0xFFFFFC00, v1  }
0x51: {  	v1 =	vand.u32 $0x380, v1;
	v2 =	vadd.s32 v2, v3  }
0x52: {  	v1 =	vor.u32 v1, v2  }
0x53: {  	v1 =	vshrl.u32 v1, $0x3;
	_ =	sdelay $0x3  }
0x54: {  	s16 =	sadd.s32 $0x800, s17  }
0x55: {  	[tilespmem:s16], [sflag:$0x1] =	stream.indirect_vreg.gather [hbm:s5], $0x80, v1, vm0, $0x38;
	[tilespmem:$0x50A0] =	vst v63  }
0x56: {  	s16 =	sadd.s32 $0x400, s16  }
0x57: {  	[tilespmem:s16], [sflag:$0x1] =	stream.indirect_vreg.gather [hbm:s5], $0x80, v1, vm1, $0x38;
	[tilespmem:$0x50A0] =	vst v63  }
0x58: {  	s13 =	sshll.u32 s13, $0x4;
	_ =	swait.ge [sflag:s6], $0x2800  }
0x59: {  	s13 =	sadd.s32 s13, s9;
	[sflag:s6] =	ssyncset.done $0x0  }
0x5a: {  	s17 =	sadd.s32 $0x0, s13;
	s16 =	simm.s32 $0x80;
	[sflag:s6] =	ssyncadd.s32 $0xFFFFD800  }
.LBB2_5:
0x5b: {  	[hbm:s17] =	stream.linear.scatter [tilespmem:s14], [sflag:$0x3], $0x400, $0x38;
	[tilespmem:$0x50A0] =	vst v63  }
0x5c: {  	s17 =	smov.u32 s16;
	s14 =	smov.u32 s15;
	p1 =	sne.s32 s16, $0x480  }
.Ltmp4:
0x5d: {  	s16 =	sadd.s32 $0x80, s16;
	(pc) =	sbr.rel @p1 .LBB2_5-.Ltmp4, $2  }
0x5e: {  	_ =	sdelay $0x2  }
0x5f: {  	s15 =	sadd.s32 $0x400, s15;
	s17 =	sadd.s32 s17, s13  }
.Ltmp5:
0x60: {  	_ = 	snop;
	(pc) =	sbr.rel .LBB2_6-.Ltmp5, $1  }
0x61: {  	_ =	sdelay $0x3  }
.LBB2_8:
0x62: {  	_ =	sfence.sel $0x180000  }
0x63: {  	s1 =	simm.s32 $0x2;
	[bflag:$0x0] =	sbarrier.arrive $0xFFFF  }
0x64: {  	s30 =	simm.s32 $0x3;
	[sflag:s1] =	ssyncpa.u1 $0x1  }
0x65: {  	s31 =	simm.s32 $0x1;
	[sflag:s30] =	ssyncpa.u1 $0x1  }
0x66: {  	[sflag:s31] =	ssyncpa.u1 $0x1  }
0x67: {  	p0 =	sne.s32 s0, $0x0;
	_ =	strace $0x90000050  }
0x68: {  	s0 =	sadd.s32 @!p0 $0x100000, s2;
	[bflag:$0x2] =	sbarrier.arrive $0xFFFF  }
0x69: {  	[sflag:s0] =	ssyncadd.tile.s32 @!p0 $0x1;
	_ =	shalt  }
.Lfunc_end2:
_tile_overlayer_lowered:
.L_overlay_start_2:
0x6a: {  	(tag) =	ssettag $0x2  }
0x6b: {  	s0 =	rddreg [dreg:$0x0];
	s2 =	stileid.u32  }
0x6c: {  	s1 =	rddreg [dreg:$0x1];
	p0 =	sne.s32 s2, $0x0  }
0x6d: {  	s3 =	rddreg [dreg:$0x2];
	[bflag:$0x3] =	sbarrier.arrive $0xFFFF;
	s2 =	simm.s32 @!p0 $0x1C01  }
0x6e: {  	[timem:s3], [sflag:s2] =	dma.local @!p0 [hbm:s0], s1  }
0x6f: {  	s0 =	simm.s32 @!p0 $0x1  }
0x70: {  	_ =	swait.ge @!p0 [sflag:s0], s1  }
0x71: {  	s1 =	ssub.s32 @!p0 $0x0, s1;
	[sflag:s0] =	ssyncset.done @!p0 $0x0  }
0x72: {  	[sflag:s0] =	ssyncadd.s32 @!p0 s1  }
0x73: {  	[bflag:$0x3] =	sbarrier.arrive $0xFFFF  }
0x74: {  	_ =	shalt  }

// kernel: gather_offload_async_start
scs
__scs_entry_jumppad:
0x0: {  	(pc) =	sbr.rel $0x88, $3  }
0x1: {  	(tag) =	ssettag $0x0;
	lr =	simm.s32 $0x1  }
0x2: {  	[smem:$0x3F9A] =	sst lr;
	_ =	strace $0xD0000000  }
0x3: {  	_ = 	snop  }
0x4: {  	_ = 	snop  }
0x5: {  	_ = 	snop  }
0x6: {  	_ = 	snop  }
0x7: {  	_ = 	snop  }
__scs_overlays_trampoline_lowered:
0x8: {  	[smem:$0x3FA9] =	sst s0  }
0x9: {  	[smem:$0x3FAA] =	sst s1  }
0xa: {  	[smem:$0x3FAB] =	sst s2  }
0xb: {  	[smem:$0x3FAC] =	sst s3  }
0xc: {  	[smem:$0x3FAD] =	sst s4  }
0xd: {  	[smem:$0x3FAE] =	sst s5  }
0xe: {  	[smem:$0x3FAF] =	sst s6  }
0xf: {  	[smem:$0x3FB0] =	sst s7  }
0x10: {  	[smem:$0x3FB1] =	sst s8  }
0x11: {  	[smem:$0x3FB2] =	sst s9;
	s0 =	simm.s32 @!p0 $0x0  }
0x12: {  	s1 =	sld [smem:$0x3F98];
	s0 =	simm.s32 @p0 $0x1  }
0x13: {  	[smem:$0x3FB3] =	sst s0;
	s0 =	simm.s32 @!p1 $0x0  }
0x14: {  	s2 =	sld [smem:$0x3F97];
	s0 =	simm.s32 @p1 $0x1  }
0x15: {  	[smem:$0x3FB4] =	sst s0;
	s0 =	simm.s32 @!p2 $0x0  }
0x16: {  	s3 =	sld [smem:$0x3FDB];
	s0 =	simm.s32 @p2 $0x1  }
0x17: {  	s4 =	simm.s32 $0x1BF5;
	[smem:$0x3FB6] =	sst s0  }
0x18: {  	s0 =	sld [smem:$0x3F99];
	_ =	swait.ge [sflag:s4], $0x0  }
0x19: {  	s7 =	sld [smem:$0x3F9A]  }
0x1a: {  	s8 =	sadd.s32 $0xFFFFE003, lr  }
0x1b: {  	s9 =	sadd.s32 $0xFFFFFEF7, lr;
	s5 =	simm.s32 $0xFFFFFFFF;
	p2 =	slt.u32 s8, $0xFFFFF086  }
0x1c: {  	p1 =	slt.u32 s9, $0xF7A;
	s5 =	simm.s32 @!p2 $0x0  }
0x1d: {  	s5 =	simm.s32 @p1 $0x1;
	p0 =	seq.s32 s7, s2  }
0x1e: {  	s7 =	smul.u32 @!p0 $0xF7A, s2;
	p2 =	seq.s32 @!p0 s5, $0x0  }
0x1f: {  	s9 =	smul.u32 $0xF7A, s1;
	s8 =	simm.s32 @!p0 $0x1BF5;
	p2 =	por !p2, p0  }
0x20: {  	[sflag:s8] =	ssyncset.s32 @!p0 $0xFFFFF086;
	s6 =	sadd.s32 @!p0 s3, s7;
	s7 =	simm.s32 @!p0 $0x108  }
0x21: {  	s3 =	sadd.s32 s3, s9;
	s6 =	sadd.s32 @!p0 $0x88, s6;
	s7 =	simm.s32 @p2 $0x1082  }
0x22: {  	[simem:s7], [sflag:s8] =	dma.local @!p0 [hbm:s6], $0xF7A  }
0x23: {  	s9 =	sor.u32 $0xD0000000, s2;
	s6 =	simm.s32 $0x108;
	_ =	swait.ge @!p0 [sflag:s8], $0x0  }
0x24: {  	s3 =	sadd.s32 $0x88, s3;
	s6 =	simm.s32 @!p1 $0x1082;
	[sflag:s4] =	ssyncset.s32 $0xFFFFF086  }
0x25: {  	[simem:s6], [sflag:s4] =	dma.local [hbm:s3], $0xF7A  }
0x26: {  	[smem:$0x3F9A] =	sst s1;
	(tag) =	ssettag s2;
	_ =	strace s9  }
0x27: {  	s1 =	sld [smem:$0x3FAA]  }
0x28: {  	s2 =	sld [smem:$0x3FAB]  }
0x29: {  	s4 =	sld [smem:$0x3FAD]  }
0x2a: {  	p0 =	seq.s32 s5, $0x0;
	s5 =	sld [smem:$0x3FAE]  }
0x2b: {  	s6 =	sld [smem:$0x3FAF]  }
0x2c: {  	s7 =	sld [smem:$0x3FB0]  }
0x2d: {  	s3 =	simm.s32 $0x108;
	s8 =	sld [smem:$0x3FB1]  }
0x2e: {  	s3 =	simm.s32 @!p0 $0x1082;
	s9 =	sld [smem:$0x3FB2]  }
0x2f: {  	lr =	sadd.s32 s0, s3;
	s0 =	sld [smem:$0x3FA9]  }
0x30: {  	s3 =	sld [smem:$0x3FAC]  }
0x31: {  	[smem:$0x3FB5] =	sst s10  }
0x32: {  	s10 =	sld [smem:$0x3FB3];
	_ =	sdelay $0x3  }
0x33: {  	p0 =	seq.s32 s10, $0x1;
	s10 =	sld [smem:$0x3FB5];
	_ =	sdelay $0x3  }
0x34: {  	[smem:$0x3FB5] =	sst s10  }
0x35: {  	s10 =	sld [smem:$0x3FB4];
	_ =	sdelay $0x3  }
0x36: {  	p1 =	seq.s32 s10, $0x1;
	s10 =	sld [smem:$0x3FB5];
	_ =	sdelay $0x3  }
0x37: {  	[smem:$0x3FB5] =	sst s10  }
0x38: {  	s10 =	sld [smem:$0x3FB6]  }
0x39: {  	_ = 	snop;
	(pc) =	sbr.ind lr, $3  }
0x3a: {  	_ = 	snop  }
0x3b: {  	_ = 	snop  }
0x3c: {  	p2 =	seq.s32 s10, $0x1;
	s10 =	sld [smem:$0x3FB5]  }
0x3d: {  	_ =	shalt  }
0x3e: {  	_ =	shalt  }
0x3f: {  	_ =	shalt  }
0x40: {  	_ =	shalt  }
0x41: {  	_ =	shalt  }
0x42: {  	_ =	shalt  }
0x43: {  	_ =	shalt  }
0x44: {  	_ =	shalt  }
0x45: {  	_ =	shalt  }
0x46: {  	_ =	shalt  }
0x47: {  	_ =	shalt  }
0x48: {  	_ =	shalt  }
0x49: {  	_ =	shalt  }
0x4a: {  	_ =	shalt  }
0x4b: {  	_ =	shalt  }
0x4c: {  	_ =	shalt  }
0x4d: {  	_ =	shalt  }
0x4e: {  	_ =	shalt  }
0x4f: {  	_ =	shalt  }
0x50: {  	_ =	shalt  }
0x51: {  	_ =	shalt  }
0x52: {  	_ =	shalt  }
0x53: {  	_ =	shalt  }
0x54: {  	_ =	shalt  }
0x55: {  	_ =	shalt  }
0x56: {  	_ =	shalt  }
0x57: {  	_ =	shalt  }
0x58: {  	_ =	shalt  }
0x59: {  	_ =	shalt  }
0x5a: {  	_ =	shalt  }
0x5b: {  	_ =	shalt  }
0x5c: {  	_ =	shalt  }
0x5d: {  	_ =	shalt  }
0x5e: {  	_ =	shalt  }
0x5f: {  	_ =	shalt  }
0x60: {  	_ =	shalt  }
0x61: {  	_ =	shalt  }
0x62: {  	_ =	shalt  }
0x63: {  	_ =	shalt  }
0x64: {  	_ =	shalt  }
0x65: {  	_ =	shalt  }
0x66: {  	_ =	shalt  }
0x67: {  	_ =	shalt  }
0x68: {  	_ =	shalt  }
0x69: {  	_ =	shalt  }
0x6a: {  	_ =	shalt  }
0x6b: {  	_ =	shalt  }
0x6c: {  	_ =	shalt  }
0x6d: {  	_ =	shalt  }
0x6e: {  	_ =	shalt  }
0x6f: {  	_ =	shalt  }
0x70: {  	_ =	shalt  }
0x71: {  	_ =	shalt  }
0x72: {  	_ =	shalt  }
0x73: {  	_ =	shalt  }
0x74: {  	_ =	shalt  }
0x75: {  	_ =	shalt  }
0x76: {  	_ =	shalt  }
0x77: {  	_ =	shalt  }
0x78: {  	_ =	shalt  }
0x79: {  	_ =	shalt  }
0x7a: {  	_ =	shalt  }
0x7b: {  	_ =	shalt  }
0x7c: {  	_ =	shalt  }
0x7d: {  	_ =	shalt  }
0x7e: {  	_ =	shalt  }
0x7f: {  	_ =	shalt  }
0x80: {  	_ =	shalt  }
0x81: {  	_ =	shalt  }
0x82: {  	_ =	shalt  }
0x83: {  	_ =	shalt  }
0x84: {  	_ =	shalt  }
0x85: {  	_ =	shalt  }
0x86: {  	_ =	shalt  }
0x87: {  	_ =	shalt  }
.Lfunc_end0:
.L_simem_size_0:
called_computation_lowered:
.L_overlay_start_0:
0x88: {  	s2 =	sld [smem:$0x3FD9]  }
0x89: {  	s3 =	sld [smem:$0x3FFE];
	_ =	sdelay $0x1  }
0x8a: {  	s1 =	srdreg.scid  }
0x8b: {  	s0 =	sand.u32 $0x1, s1  }
0x8c: {  	s16 =	sshll.u32 s0, $0xA;
	s2 =	sadd.s32 s3, s2  }
0x8d: {  	s2 =	sadd.s32 s2, s16  }
0x8e: {  	[smem:$0x3FC1] =	sst s2  }
0x8f: {  	_ = 	snop  }
0x90: {  	(tm) =	ssettm $0x1  }
0x91: {  	s17 =	sld [smem:$0x3FFB];
	_ =	sdelay $0x3  }
0x92: {  	_ =	strace s17  }
0x93: {  	s2 =	sld [smem:$0x3FFC];
	_ =	sdelay $0x3  }
0x94: {  	_ =	strace s2  }
0x95: {  	s2 =	sld [smem:$0x3FFD];
	_ =	sdelay $0x3  }
0x96: {  	_ =	strace s2  }
0x97: {  	_ =	strace $0x8FFFFFFF  }
0x98: {  	s18 =	sld [smem:$0x3FDB];
	_ =	sdelay $0x1  }
0x99: {  	s19 =	simm.s32 $_scs_section_size  }
0x9a: {  	s4 =	simm.s32 $_size__tile_overlayer_lowered;
	s5 =	simm.s32 $_tile_overlayer_lowered  }
0x9b: {  	s22 =	simm.s32 $0x1BFF;
	s21 =	sshll.u32 s5, $0x1;
	s2 =	sadd.s32 s19, s18  }
0x9c: {  	s6 =	simm.s32 $0x0;
	s20 =	sshll.u32 s4, $0x1;
	s4 =	sadd.s32 s21, s2  }
0x9d: {  	[timem:s6], [sflag:s22] =	dma.local [hbm:s4], s20  }
0x9e: {  	_ =	swait.ge [sflag:s22], s20  }
0x9f: {  	s3 =	ssub.s32 $0x0, s20;
	[sflag:s22] =	ssyncset.done $0x0  }
0xa0: {  	[sflag:s22] =	ssyncadd.s32 s3;
	_ =	sdelay $0x1  }
0xa1: {  	s23 =	simm.s32 $0x1B8B  }
0xa2: {  	_ =	swait.ge [sflag:s23], $0x1  }
0xa3: {  	[sflag:s23] =	ssyncset.done $0x0  }
0xa4: {  	s25 =	simm.s32 $0x1B8E;
	s24 =	sld [smem:$0x3FFE];
	[sflag:s23] =	ssyncadd.s32 $0xFFFFFFFF  }
0xa5: {  	s26 =	simm.s32 $execute0_lowered;
	[smem:$0x3FD2] =	sst s25  }
0xa6: {  	s4 =	sshll.u32 s26, $0x1;
	_ =	strace $0x80000049;
	[dreg:$0x1] =	wrdreg $0xFFFFFFFF  }
0xa7: {  	s28 =	simm.s32 $_size_execute0_lowered;
	s2 =	sadd.s32 s2, s4;
	[dreg:$0x0] =	wrdreg $0x0  }
0xa8: {  	s4 =	sshll.u32 s28, $0x1;
	[dreg:$0x2] =	wrdreg s2  }
0xa9: {  	[dreg:$0x3] =	wrdreg s4  }
0xaa: {  	[dreg:$0x4] =	wrdreg $0xC0  }
0xab: {  	_ =	task [dreg:s6], $0x5FFFF  }
0xac: {  	[dreg:$0x1] =	wrdreg $0xFFFFFFFF  }
0xad: {  	[dreg:$0x0] =	wrdreg $0x60  }
0xae: {  	[dreg:$0x2] =	wrdreg s24  }
0xaf: {  	[dreg:$0x3] =	wrdreg $0x9  }
0xb0: {  	_ =	task.clear_ibuf [dreg:s6], $0x4FFFF;
	_ =	strace $0x90000049  }
0xb1: {  	s29 =	simm.s32 $0x9;
	_ =	strace $0x8000004B  }
0xb2: {  	_ =	swait.ge [sflag:s29], $0x1  }
0xb3: {  	[sflag:s29] =	ssyncadd.s32 $0xFFFFFFFF  }
0xb4: {  	_ =	strace $0x9000004B  }
0xb5: {  	_ =	sfence  }
0xb6: {  	s30 =	sld [smem:$0x0];
	_ =	sdelay $0x2  }
0xb7: {  	s31 =	sshll.u32 s1, $0xD;
	s1 =	sshrl.u32 s1, $0x2  }
0xb8: {  	s3 =	sand.u32 $0x4000, s31;
	s1 =	sadd.s32 s1, s30  }
0xb9: {  	s0 =	sor.u32 s3, s0;
	s1 =	sshll.u32 s1, $0x11  }
0xba: {  	s0 =	sor.u32 s1, s0  }
0xbb: {  	s0 =	sadd.s32 $0x8F2B, s0  }
0xbc: {  	[sflag:s0] =	ssyncadd.remote.s32 $0x1  }
0xbd: {  	_ =	sfence.sel $0xFFFF  }
0xbe: {  	[dreg:$0x0] =	wrdreg $0xFFFFFFFF;
	(pc) =	sbr.abs _section_cstart, $3  }
0xbf: {  	[dreg:$0x1] =	wrdreg $0xFFFFFFFF  }
0xc0: {  	_ =	task.clear_ibuf [dreg:s6], $0x2FFFF;
	_ =	strace $0x9FFFFFFF  }
0xc1: {  	(tm) =	ssettm $0x7FFFFFFF  }
tec
execute0_lowered:
.L_overlay_start_1:
0x0: {  	(tag) =	ssettag $0x1  }
0x1: {  	s0 =	srdreg.scid  }
0x2: {  	s1 =	sshll.u32 s0, $0x4  }
0x3: {  	s0 =	stileid.u32;
	s1 =	sand.u32 $0x10, s1  }
0x4: {  	s1 =	sor.u32 s0, s1  }
0x5: {  	s2 =	smin.u32 s1, $0x12  }
0x6: {  	s2 =	sadd.s32 s1, s2  }
0x7: {  	p0 =	slt.u32 s1, $0x12;
	s1 =	simm.s32 $0xA0;
	s2 =	smul.u32 $0x50, s2  }
0x8: {  	s1 =	simm.s32 @!p0 $0x50  }
0x9: {  	s1 =	sadd.s32 s1, s2  }
0xa: {  	s3 =	smin.u32 s1, $0xFA0  }
0xb: {  	s7 =	ssub.s32 s3, s2  }
0xc: {  	p0 =	sgt.s32 s7, $0x0  }
0xd: {  	s7 =	simm.s32 @!p0 $0x0  }
0xe: {  	s4 =	smul.u32 $0xCCCD, s7  }
0xf: {  	s9 =	rddreg [dreg:$0x0];
	s6 =	simm.s32 $0x1;
	s11 =	simm.s32 $0x3  }
0x10: {  	s13 =	simm.s32 $0x0;
	s12 =	simm.s32 $0x0;
	s8 =	sshrl.u32 s4, $0x16  }
0x11: {  	s1 =	rddreg [dreg:$0x1];
	_ =	strace $0x8000004A;
	s10 =	smul.u32 $0x50, s8  }
.Ltmp0:
0x12: {  	s5 =	sadd.s32 $0xA00, s9;
	[sflag:s6] =	ssyncpa.u1 $0x0;
	(pc) =	sbr.rel .LBB2_1-.Ltmp0, $4  }
0x13: {  	s4 =	sadd.s32 $0x23CE00, s9;
	p0 =	sne.s32 s7, s10;
	s10 =	simm.s32 $0x1  }
0x14: {  	s9 =	sadd.s32 $0xC00, s9;
	s7 =	simm.s32 $0x2;
	s10 =	simm.s32 @!p0 $0x0  }
0x15: {  	[sflag:s7] =	ssyncpa.u1 $0x0;
	p0 =	por $0x0, $0x0;
	s8 =	sadd.s32 s8, s10  }
0x16: {  	vm0 =	vmmov $0xff;
	vm1 =	vcmask $0x3F20;
	[sflag:s11] =	ssyncpa.u1 $0x0;
	s11 =	smov.u32 s2;
	s10 =	sadd.s32 $0x1, s8  }
.LBB2_6:
0x17: {  	[hbm:s17] =	stream.linear.scatter [tilespmem:s14], [sflag:$0x3], $0x400, $0x38;
	[tilespmem:$0x50A0] =	vst v63  }
.LBB2_7:
0x18: {  	s13 =	sadd.s32 $0x50, s11  }
0x19: {  	s15 =	smov.u32 s2;
	p2 =	slt.s32 s13, s3  }
0x1a: {  	s15 =	smov.u32 @p2 s13;
	p2 =	sne.s32 s12, s10  }
.Ltmp1:
0x1b: {  	p1 =	slt.u32 s12, $0x2;
	(pc) =	sbr.rel @!p2 .LBB2_8-.Ltmp1, $4  }
0x1c: {  	s14 =	simm.s32 @!p1 $0x3  }
0x1d: {  	s16 =	sadd.s32 $0x1, s12;
	_ =	swait.ge @!p1 [sflag:s14], $0x2800  }
0x1e: {  	p0 =	por !p0, !p0;
	s13 =	smov.u32 s11;
	[sflag:s14] =	ssyncset.done @!p1 $0x0  }
0x1f: {  	s12 =	smov.u32 s16;
	s11 =	smov.u32 s15;
	[sflag:s14] =	ssyncadd.s32 @!p1 $0xFFFFD800  }
.LBB2_1:
0x20: {  	p1 =	sge.u32 s12, s8  }
0x21: {  	s14 =	sxor.u32 @!p1 $0xFFFFFFFF, s12  }
0x22: {  	s14 =	sand.u32 @!p1 $0x1, s14  }
0x23: {  	s14 =	smul.u32 @!p1 $0x140, s14  }
0x24: {  	s31 =	sadd.s32 $0xFFFFFFFF, s12;
	s15 =	sshrl.u32 @!p1 s11, $0x3  }
0x25: {  	s16 =	sand.u32 @!p1 $0x7, s11;
	s15 =	sadd.s32 @!p1 s5, s15;
	s14 =	sshrl.u32 @!p1 s14, $0x2  }
0x26: {  	[tilespmem:s14], [sflag:$0x2] =	stream.linear.gather @!p1 [hbm4b:s15+s16], $0x50, $0x38;
	[tilespmem:$0x50A0] =	vst v63  }
0x27: {  	p1 =	sge.u32 s31, s8  }
.Ltmp2:
0x28: {  	_ = 	snop;
	(pc) =	sbr.rel @p1 .LBB2_7-.Ltmp2, $1  }
0x29: {  	_ =	sdelay $0x3  }
0x2a: {  	s14 =	simm.s32 $0x1  }
0x2b: {  	s14 =	simm.s32 @!p0 $0x0  }
0x2c: {  	s15 =	smul.u32 $0x140, s14  }
0x2d: {  	_ =	swait.ge [sflag:s7], $0x50  }
0x2e: {  	[sflag:s7] =	ssyncset.done $0x0;
	s16 =	sshrl.u32 s15, $0x2  }
0x2f: {  	[sflag:s7] =	ssyncadd.s32 $0xFFFFFFB0;
	s15 =	sadd.s32 $0x0, s16  }
0x30: {  	v0 =	vld.msk [tilespmem:s15+$0x0 ss:$0x1], $0xffff;
	_ =	sdelay $0x4  }
0x31: {  	vm2 =	vgt.s32 v0, $0x0  }
0x32: {  	v0 =	vnsel vm2, $0x0, v0  }
0x33: {  	v0 =	vmin.u32 v0, $0x3BFFF  }
0x34: {  	v0 =	vshll.u32 v0, $0x4  }
0x35: {  	s14 =	smul.u32 $0xA000, s14;
	_ =	sdelay $0x1  }
0x36: {  	s14 =	sshrl.u32 s14, $0x2  }
0x37: {  	s14 =	sor.u32 $0xA0, s14  }
0x38: {  	[tilespmem:s14], [sflag:$0x1] =	stream.indirect_vreg.gather [hbm:s4], $0x80, v0, vm0, $0x38;
	[tilespmem:$0x50A0] =	vst v63  }
0x39: {  	s17 =	sadd.s32 $0x10, s16;
	s15 =	sadd.s32 $0x400, s14  }
0x3a: {  	[tilespmem:s15], [sflag:$0x1] =	stream.indirect_vreg.gather [hbm:s4], $0x80, v0, vm1, $0x38;
	[tilespmem:$0x50A0] =	vst v63  }
0x3b: {  	s18 =	simm.s32 $0x80;
	v0 =	vld.msk [tilespmem:s17+$0x0 ss:$0x1], $0xffff;
	s17 =	smov.u32 s14  }
.LBB2_3:
0x3c: {  	p1 =	sne.s32 s18, $0x100;
	_ =	sdelay $0x4  }
0x3d: {  	vm2 =	vgt.s32 v0, $0x0  }
0x3e: {  	v0 =	vnsel vm2, $0x0, v0  }
0x3f: {  	v0 =	vmin.u32 v0, $0x3BFFF  }
0x40: {  	v0 =	vshll.u32 v0, $0x4;
	_ =	sdelay $0x3  }
.Ltmp3:
0x41: {  	s19 =	sshra.s32 s18, $0x2;
	s17 =	sadd.s32 $0x800, s17;
	(pc) =	sbr.rel @p1 .LBB2_3-.Ltmp3, $4  }
0x42: {  	[tilespmem:s17], [sflag:$0x1] =	stream.indirect_vreg.gather [hbm:s4], $0x80, v0, vm0, $0x38;
	[tilespmem:$0x50A0] =	vst v63  }
0x43: {  	s19 =	sadd.s32 s19, s16;
	s20 =	sadd.s32 $0x400, s17  }
0x44: {  	[tilespmem:s20], [sflag:$0x1] =	stream.indirect_vreg.gather [hbm:s4], $0x80, v0, vm1, $0x38;
	[tilespmem:$0x50A0] =	vst v63  }
0x45: {  	s18 =	sadd.s32 $0x40, s18;
	v0 =	vld.msk [tilespmem:s19+$0x0 ss:$0x1], $0xffff  }
0x46: {  	_ =	sdelay $0x3  }
0x47: {  	vm2 =	vgt.s32 v0, $0x0  }
0x48: {  	v0 =	vnsel vm2, $0x0, v0  }
0x49: {  	v0 =	vmin.u32 v0, $0x3BFFF  }
0x4a: {  	v0 =	vshll.u32 v0, $0x4;
	_ =	sdelay $0x3  }
0x4b: {  	s16 =	sadd.s32 $0x800, s17  }
0x4c: {  	[tilespmem:s16], [sflag:$0x1] =	stream.indirect_vreg.gather [hbm:s4], $0x80, v0, vm0, $0x38;
	[tilespmem:$0x50A0] =	vst v63  }
0x4d: {  	s16 =	sadd.s32 $0x400, s16  }
0x4e: {  	[tilespmem:s16], [sflag:$0x1] =	stream.indirect_vreg.gather [hbm:s4], $0x80, v0, vm1, $0x38;
	[tilespmem:$0x50A0] =	vst v63  }
0x4f: {  	s13 =	sshll.u32 s13, $0x4;
	_ =	swait.ge [sflag:s6], $0x2800  }
0x50: {  	s13 =	sadd.s32 s13, s9;
	[sflag:s6] =	ssyncset.done $0x0  }
0x51: {  	s17 =	sadd.s32 $0x0, s13;
	s16 =	simm.s32 $0x80;
	[sflag:s6] =	ssyncadd.s32 $0xFFFFD800  }
.LBB2_5:
0x52: {  	[hbm:s17] =	stream.linear.scatter [tilespmem:s14], [sflag:$0x3], $0x400, $0x38;
	[tilespmem:$0x50A0] =	vst v63  }
0x53: {  	s17 =	smov.u32 s16;
	s14 =	smov.u32 s15;
	p1 =	sne.s32 s16, $0x480  }
.Ltmp4:
0x54: {  	s16 =	sadd.s32 $0x80, s16;
	(pc) =	sbr.rel @p1 .LBB2_5-.Ltmp4, $2  }
0x55: {  	_ =	sdelay $0x2  }
0x56: {  	s15 =	sadd.s32 $0x400, s15;
	s17 =	sadd.s32 s17, s13  }
.Ltmp5:
0x57: {  	_ = 	snop;
	(pc) =	sbr.rel .LBB2_6-.Ltmp5, $1  }
0x58: {  	_ =	sdelay $0x3  }
.LBB2_8:
0x59: {  	_ =	sfence.sel $0x180000  }
0x5a: {  	s2 =	simm.s32 $0x2;
	[bflag:$0x0] =	sbarrier.arrive $0xFFFF  }
0x5b: {  	s30 =	simm.s32 $0x3;
	[sflag:s2] =	ssyncpa.u1 $0x1  }
0x5c: {  	s31 =	simm.s32 $0x1;
	[sflag:s30] =	ssyncpa.u1 $0x1  }
0x5d: {  	[sflag:s31] =	ssyncpa.u1 $0x1  }
0x5e: {  	p0 =	sne.s32 s0, $0x0;
	_ =	strace $0x9000004A  }
0x5f: {  	s0 =	sadd.s32 @!p0 $0x100000, s1;
	[bflag:$0x2] =	sbarrier.arrive $0xFFFF  }
0x60: {  	[sflag:s0] =	ssyncadd.tile.s32 @!p0 $0x1;
	_ =	shalt  }
.Lfunc_end2:
_tile_overlayer_lowered:
.L_overlay_start_2:
0x61: {  	(tag) =	ssettag $0x2  }
0x62: {  	s0 =	rddreg [dreg:$0x0];
	s2 =	stileid.u32  }
0x63: {  	s1 =	rddreg [dreg:$0x1];
	p0 =	sne.s32 s2, $0x0  }
0x64: {  	s3 =	rddreg [dreg:$0x2];
	[bflag:$0x3] =	sbarrier.arrive $0xFFFF;
	s2 =	simm.s32 @!p0 $0x1C01  }
0x65: {  	[timem:s3], [sflag:s2] =	dma.local @!p0 [hbm:s0], s1  }
0x66: {  	s0 =	simm.s32 @!p0 $0x1  }
0x67: {  	_ =	swait.ge @!p0 [sflag:s0], s1  }
0x68: {  	s1 =	ssub.s32 @!p0 $0x0, s1;
	[sflag:s0] =	ssyncset.done @!p0 $0x0  }
0x69: {  	[sflag:s0] =	ssyncadd.s32 @!p0 s1  }
0x6a: {  	[bflag:$0x3] =	sbarrier.arrive $0xFFFF  }
0x6b: {  	_ =	shalt  }

</sc_bundles>
